<compile_context>
chip_gen: v7x
topology: tpu7x:2x2x1
jax: 0.10.2.dev20260603
libtpu: 0.0.44.dev20260713+nightly
codegen_flags: <defaults>
</compile_context>

<pallas_src>
import functools

import jax
import jax.numpy as jnp
from jax import lax
from jax.experimental import pallas as pl
from jax.experimental.pallas import tpu as pltpu
from jax.experimental.pallas import tpu_sc as plsc

_CHUNK = 16
_NBUF = 6


@functools.lru_cache(maxsize=None)
def _make_gather(V, D, B):
  info = plsc.get_sparse_core_info()
  nw = info.num_cores * info.num_subcores
  assert B % nw == 0
  b_per_w = B // nw
  assert b_per_w % _CHUNK == 0
  nchunks = b_per_w // _CHUNK
  mesh = plsc.VectorSubcoreMesh(core_axis_name="c", subcore_axis_name="s")

  @functools.partial(
      pl.kernel,
      mesh=mesh,
      out_type=jax.ShapeDtypeStruct((B, D), jnp.float32),
      scratch_types=(
          [pltpu.VMEM((b_per_w,), jnp.int32)]
          + [pltpu.VMEM((_CHUNK, D), jnp.float32) for _ in range(_NBUF)]
          + [pltpu.SemaphoreType.DMA for _ in range(2 * _NBUF)]
      ),
  )
  def gather_kernel(table_hbm, idx_hbm, out_hbm, idx_v, *rest):
    bufs = rest[:_NBUF]
    gsems = rest[_NBUF:2 * _NBUF]
    ssems = rest[2 * _NBUF:]
    wid = lax.axis_index("s") * info.num_cores + lax.axis_index("c")
    base = wid * b_per_w
    pltpu.sync_copy(idx_hbm.at[pl.ds(base, b_per_w)], idx_v)

    def start_gather(g):
      s = g % _NBUF
      pltpu.async_copy(
          table_hbm.at[idx_v.at[pl.ds(g * _CHUNK, _CHUNK)]], bufs[s], gsems[s])

    def wait_gather(g):
      s = g % _NBUF
      pltpu.make_async_copy(
          table_hbm.at[idx_v.at[pl.ds(g * _CHUNK, _CHUNK)]], bufs[s],
          gsems[s]).wait()

    def start_store(g):
      s = g % _NBUF
      pltpu.async_copy(
          bufs[s], out_hbm.at[pl.ds(base + g * _CHUNK, _CHUNK)], ssems[s])

    def wait_store(g):
      s = g % _NBUF
      pltpu.make_async_copy(
          bufs[s], out_hbm.at[pl.ds(base + g * _CHUNK, _CHUNK)],
          ssems[s]).wait()

    for g in range(min(_NBUF, nchunks)):
      start_gather(g)
    for g in range(nchunks):
      wait_gather(g)
      start_store(g)
      pg = g - 1
      ng = pg + _NBUF
      if pg >= 0 and ng < nchunks:
        wait_store(pg)
        start_gather(ng)
    for g in range(max(0, nchunks - _NBUF), nchunks):
      wait_store(g)

  return gather_kernel


def kernel(pe, index):
  V, D = pe.shape
  (B,) = index.shape
  return _make_gather(V, D, B)(pe, index.astype(jnp.int32))

# --- scband reference (transcript-rebuilt; emitter-appended) ---
"""Pipeline reference for scband-positional-encoding-1314259992628 (READ-ONLY COPY).

The authoritative reference and input builder live on the scoring server;
editing this copy changes nothing except your own understanding.
"""

import jax, jax.numpy as jnp
import numpy as np

D_MODEL = 1024
MAX_LEN = 8192
BATCH = 16384


def _build_pe(max_len, d_model):
    position = jnp.arange(0, max_len, dtype=jnp.float32)[:, None]
    div_term = jnp.exp(jnp.arange(0, d_model, 2, dtype=jnp.float32) * (-jnp.log(10000.0) / d_model))
    pe = jnp.zeros((max_len, d_model), dtype=jnp.float32)
    pe = pe.at[:, 0::2].set(jnp.sin(position * div_term))
    pe = pe.at[:, 1::2].set(jnp.cos(position * div_term))
    return pe


def setup_inputs(seed: int = 0) -> dict:
    key = jax.random.key(seed)
    k_idx, = jax.random.split(key, 1)
    index = jax.random.randint(k_idx, (BATCH,), 0, MAX_LEN, dtype=jnp.int64 if jax.config.jax_enable_x64 else jnp.int32)
    pe = _build_pe(MAX_LEN, D_MODEL)
    return {"pe": pe, "index": index}


def reference(pe, index):
    # PositionalEncoding.forward: gather rows of the precomputed pe buffer
    return jnp.take(pe, index, axis=0)

if __name__ == "__main__":
    import jax
    _d = setup_inputs()
    print(jax.jit(kernel)(*tuple(_d.values())))

</pallas_src>

<mosaic_0001>
#map = affine_map<(d0, d1) -> (0, 0)>
#map1 = affine_map<(d0, d1) -> (0)>
module attributes {stable_mosaic.version = 14 : i64} {
  func.func @gather_kernel(%arg0: i32, %arg1: i32, %arg2: memref<8192x1024xf32, #tpu.memory_space<hbm>>, %arg3: memref<16384xi32, #tpu.memory_space<hbm>>, %arg4: memref<16384x1024xf32, #tpu.memory_space<hbm>>, %arg5: memref<512xi32, #tpu.memory_space<vmem>>, %arg6: memref<16x1024xf32, #tpu.memory_space<vmem>>, %arg7: memref<16x1024xf32, #tpu.memory_space<vmem>>, %arg8: memref<16x1024xf32, #tpu.memory_space<vmem>>, %arg9: memref<16x1024xf32, #tpu.memory_space<vmem>>, %arg10: memref<16x1024xf32, #tpu.memory_space<vmem>>, %arg11: memref<16x1024xf32, #tpu.memory_space<vmem>>, %arg12: memref<!tpu.dma_semaphore, #tpu.memory_space<semaphore_mem>>, %arg13: memref<!tpu.dma_semaphore, #tpu.memory_space<semaphore_mem>>, %arg14: memref<!tpu.dma_semaphore, #tpu.memory_space<semaphore_mem>>, %arg15: memref<!tpu.dma_semaphore, #tpu.memory_space<semaphore_mem>>, %arg16: memref<!tpu.dma_semaphore, #tpu.memory_space<semaphore_mem>>, %arg17: memref<!tpu.dma_semaphore, #tpu.memory_space<semaphore_mem>>, %arg18: memref<!tpu.dma_semaphore, #tpu.memory_space<semaphore_mem>>, %arg19: memref<!tpu.dma_semaphore, #tpu.memory_space<semaphore_mem>>, %arg20: memref<!tpu.dma_semaphore, #tpu.memory_space<semaphore_mem>>, %arg21: memref<!tpu.dma_semaphore, #tpu.memory_space<semaphore_mem>>, %arg22: memref<!tpu.dma_semaphore, #tpu.memory_space<semaphore_mem>>, %arg23: memref<!tpu.dma_semaphore, #tpu.memory_space<semaphore_mem>>) attributes {dimension_semantics = [#tpu.dimension_semantics<core_parallel>, #tpu.dimension_semantics<subcore_parallel>], iteration_bounds = array<i64: 2, 16>, scalar_prefetch = 0 : i64, scratch_operands = 19 : i64, tpu.core_type = #tpu.core_type<sc_vector_subcore>, window_params = [{transform_indices = #map}, {transform_indices = #map1}, {transform_indices = #map}]} {
    %mul3A = arith.constant 2 : i32
    %mul3A_0 = arith.muli %arg1, %mul3A : i32
    %add3A = arith.addi %mul3A_0, %arg0 : i32
    %mul3A_1 = arith.constant 512 : i32
    %mul3A_2 = arith.muli %add3A, %mul3A_1 : i32
    "tpu.region"() ({
      %run_scoped3A = tpu.sem_alloc : memref<!tpu.dma_semaphore, #tpu.memory_space<semaphore_mem>>
      %dma_start3A_705 = tpu.memref_slice %arg3[%mul3A_2] : memref<16384xi32, #tpu.memory_space<hbm>> -> memref<512xi32, #tpu.memory_space<hbm>>
      %dma_start3A_706 = tpu.memref_slice %arg3[%mul3A_2] : memref<16384xi32, #tpu.memory_space<hbm>> -> memref<512xi32, #tpu.memory_space<hbm>>
      tpu.enqueue_dma source(%dma_start3A_706 : memref<512xi32, #tpu.memory_space<hbm>>) target(%arg5 : memref<512xi32, #tpu.memory_space<vmem>>) target_semaphore(%run_scoped3A : memref<!tpu.dma_semaphore, #tpu.memory_space<semaphore_mem>>)
      %dma_wait3A_707 = tpu.memref_slice %arg3[%mul3A_2] : memref<16384xi32, #tpu.memory_space<hbm>> -> memref<512xi32, #tpu.memory_space<hbm>>
      %dma_wait3A_708 = tpu.memref_slice %arg3[%mul3A_2] : memref<16384xi32, #tpu.memory_space<hbm>> -> memref<512xi32, #tpu.memory_space<hbm>>
      tpu.wait_dma2 semaphore(%run_scoped3A : memref<!tpu.dma_semaphore, #tpu.memory_space<semaphore_mem>>) src(%dma_wait3A_708 : memref<512xi32, #tpu.memory_space<hbm>>) dst(%arg5 : memref<512xi32, #tpu.memory_space<vmem>>)
      tpu.yield
    }) : () -> ()
    %dma_start3A = arith.constant 0 : i32
    %dma_start3A_3 = tpu.memref_slice %arg5[%dma_start3A] : memref<512xi32, #tpu.memory_space<vmem>> -> memref<16xi32, #tpu.memory_space<vmem>>
    %dma_start3A_4 = arith.constant 0 : i32
    %dma_start3A_5 = arith.constant 0 : i32
    %dma_start3A_6 = tpu.memref_slice %arg2[%dma_start3A_4, %dma_start3A_5] : memref<8192x1024xf32, #tpu.memory_space<hbm>> -> memref<8192x1024xf32, #tpu.memory_space<hbm>>
    tpu.enqueue_indirect_dma source(%dma_start3A_6 : memref<8192x1024xf32, #tpu.memory_space<hbm>>) target(%arg6 : memref<16x1024xf32, #tpu.memory_space<vmem>>) offsets(%dma_start3A_3 : memref<16xi32, #tpu.memory_space<vmem>>) semaphore(%arg12 : memref<!tpu.dma_semaphore, #tpu.memory_space<semaphore_mem>>)
    %dma_start3A_7 = arith.constant 16 : i32
    %dma_start3A_8 = tpu.memref_slice %arg5[%dma_start3A_7] : memref<512xi32, #tpu.memory_space<vmem>> -> memref<16xi32, #tpu.memory_space<vmem>>
    %dma_start3A_9 = arith.constant 0 : i32
    %dma_start3A_10 = arith.constant 0 : i32
    %dma_start3A_11 = tpu.memref_slice %arg2[%dma_start3A_9, %dma_start3A_10] : memref<8192x1024xf32, #tpu.memory_space<hbm>> -> memref<8192x1024xf32, #tpu.memory_space<hbm>>
    tpu.enqueue_indirect_dma source(%dma_start3A_11 : memref<8192x1024xf32, #tpu.memory_space<hbm>>) target(%arg7 : memref<16x1024xf32, #tpu.memory_space<vmem>>) offsets(%dma_start3A_8 : memref<16xi32, #tpu.memory_space<vmem>>) semaphore(%arg13 : memref<!tpu.dma_semaphore, #tpu.memory_space<semaphore_mem>>)
    %dma_start3A_12 = arith.constant 32 : i32
    %dma_start3A_13 = tpu.memref_slice %arg5[%dma_start3A_12] : memref<512xi32, #tpu.memory_space<vmem>> -> memref<16xi32, #tpu.memory_space<vmem>>
    %dma_start3A_14 = arith.constant 0 : i32
    %dma_start3A_15 = arith.constant 0 : i32
    %dma_start3A_16 = tpu.memref_slice %arg2[%dma_start3A_14, %dma_start3A_15] : memref<8192x1024xf32, #tpu.memory_space<hbm>> -> memref<8192x1024xf32, #tpu.memory_space<hbm>>
    tpu.enqueue_indirect_dma source(%dma_start3A_16 : memref<8192x1024xf32, #tpu.memory_space<hbm>>) target(%arg8 : memref<16x1024xf32, #tpu.memory_space<vmem>>) offsets(%dma_start3A_13 : memref<16xi32, #tpu.memory_space<vmem>>) semaphore(%arg14 : memref<!tpu.dma_semaphore, #tpu.memory_space<semaphore_mem>>)
    %dma_start3A_17 = arith.constant 48 : i32
    %dma_start3A_18 = tpu.memref_slice %arg5[%dma_start3A_17] : memref<512xi32, #tpu.memory_space<vmem>> -> memref<16xi32, #tpu.memory_space<vmem>>
    %dma_start3A_19 = arith.constant 0 : i32
    %dma_start3A_20 = arith.constant 0 : i32
    %dma_start3A_21 = tpu.memref_slice %arg2[%dma_start3A_19, %dma_start3A_20] : memref<8192x1024xf32, #tpu.memory_space<hbm>> -> memref<8192x1024xf32, #tpu.memory_space<hbm>>
    tpu.enqueue_indirect_dma source(%dma_start3A_21 : memref<8192x1024xf32, #tpu.memory_space<hbm>>) target(%arg9 : memref<16x1024xf32, #tpu.memory_space<vmem>>) offsets(%dma_start3A_18 : memref<16xi32, #tpu.memory_space<vmem>>) semaphore(%arg15 : memref<!tpu.dma_semaphore, #tpu.memory_space<semaphore_mem>>)
    %dma_start3A_22 = arith.constant 64 : i32
    %dma_start3A_23 = tpu.memref_slice %arg5[%dma_start3A_22] : memref<512xi32, #tpu.memory_space<vmem>> -> memref<16xi32, #tpu.memory_space<vmem>>
    %dma_start3A_24 = arith.constant 0 : i32
    %dma_start3A_25 = arith.constant 0 : i32
    %dma_start3A_26 = tpu.memref_slice %arg2[%dma_start3A_24, %dma_start3A_25] : memref<8192x1024xf32, #tpu.memory_space<hbm>> -> memref<8192x1024xf32, #tpu.memory_space<hbm>>
    tpu.enqueue_indirect_dma source(%dma_start3A_26 : memref<8192x1024xf32, #tpu.memory_space<hbm>>) target(%arg10 : memref<16x1024xf32, #tpu.memory_space<vmem>>) offsets(%dma_start3A_23 : memref<16xi32, #tpu.memory_space<vmem>>) semaphore(%arg16 : memref<!tpu.dma_semaphore, #tpu.memory_space<semaphore_mem>>)
    %dma_start3A_27 = arith.constant 80 : i32
    %dma_start3A_28 = tpu.memref_slice %arg5[%dma_start3A_27] : memref<512xi32, #tpu.memory_space<vmem>> -> memref<16xi32, #tpu.memory_space<vmem>>
    %dma_start3A_29 = arith.constant 0 : i32
    %dma_start3A_30 = arith.constant 0 : i32
    %dma_start3A_31 = tpu.memref_slice %arg2[%dma_start3A_29, %dma_start3A_30] : memref<8192x1024xf32, #tpu.memory_space<hbm>> -> memref<8192x1024xf32, #tpu.memory_space<hbm>>
    tpu.enqueue_indirect_dma source(%dma_start3A_31 : memref<8192x1024xf32, #tpu.memory_space<hbm>>) target(%arg11 : memref<16x1024xf32, #tpu.memory_space<vmem>>) offsets(%dma_start3A_28 : memref<16xi32, #tpu.memory_space<vmem>>) semaphore(%arg17 : memref<!tpu.dma_semaphore, #tpu.memory_space<semaphore_mem>>)
    %dma_wait3A = arith.constant 0 : i32
    %dma_wait3A_32 = tpu.memref_slice %arg5[%dma_wait3A] : memref<512xi32, #tpu.memory_space<vmem>> -> memref<16xi32, #tpu.memory_space<vmem>>
    %dma_wait3A_33 = arith.constant 0 : i32
    %dma_wait3A_34 = arith.constant 0 : i32
    %dma_wait3A_35 = tpu.memref_slice %arg2[%dma_wait3A_33, %dma_wait3A_34] : memref<8192x1024xf32, #tpu.memory_space<hbm>> -> memref<8192x1024xf32, #tpu.memory_space<hbm>>
    tpu.wait_indirect_dma semaphore(%arg12 : memref<!tpu.dma_semaphore, #tpu.memory_space<semaphore_mem>>) src(%dma_wait3A_35 : memref<8192x1024xf32, #tpu.memory_space<hbm>>) dst(%arg6 : memref<16x1024xf32, #tpu.memory_space<vmem>>)
    %add3A_36 = arith.constant 0 : i32
    %add3A_37 = arith.addi %mul3A_2, %add3A_36 : i32
    %dma_start3A_38 = arith.constant 0 : i32
    %dma_start3A_39 = tpu.memref_slice %arg4[%add3A_37, %dma_start3A_38] : memref<16384x1024xf32, #tpu.memory_space<hbm>> -> memref<16x1024xf32, #tpu.memory_space<hbm>>
    %dma_start3A_40 = arith.constant 0 : i32
    %dma_start3A_41 = tpu.memref_slice %arg4[%add3A_37, %dma_start3A_40] : memref<16384x1024xf32, #tpu.memory_space<hbm>> -> memref<16x1024xf32, #tpu.memory_space<hbm>>
    tpu.enqueue_dma source(%arg6 : memref<16x1024xf32, #tpu.memory_space<vmem>>) target(%dma_start3A_41 : memref<16x1024xf32, #tpu.memory_space<hbm>>) target_semaphore(%arg18 : memref<!tpu.dma_semaphore, #tpu.memory_space<semaphore_mem>>)
    %dma_wait3A_42 = arith.constant 16 : i32
    %dma_wait3A_43 = tpu.memref_slice %arg5[%dma_wait3A_42] : memref<512xi32, #tpu.memory_space<vmem>> -> memref<16xi32, #tpu.memory_space<vmem>>
    %dma_wait3A_44 = arith.constant 0 : i32
    %dma_wait3A_45 = arith.constant 0 : i32
    %dma_wait3A_46 = tpu.memref_slice %arg2[%dma_wait3A_44, %dma_wait3A_45] : memref<8192x1024xf32, #tpu.memory_space<hbm>> -> memref<8192x1024xf32, #tpu.memory_space<hbm>>
    tpu.wait_indirect_dma semaphore(%arg13 : memref<!tpu.dma_semaphore, #tpu.memory_space<semaphore_mem>>) src(%dma_wait3A_46 : memref<8192x1024xf32, #tpu.memory_space<hbm>>) dst(%arg7 : memref<16x1024xf32, #tpu.memory_space<vmem>>)
    %add3A_47 = arith.constant 16 : i32
    %add3A_48 = arith.addi %mul3A_2, %add3A_47 : i32
    %dma_start3A_49 = arith.constant 0 : i32
    %dma_start3A_50 = tpu.memref_slice %arg4[%add3A_48, %dma_start3A_49] : memref<16384x1024xf32, #tpu.memory_space<hbm>> -> memref<16x1024xf32, #tpu.memory_space<hbm>>
    %dma_start3A_51 = arith.constant 0 : i32
    %dma_start3A_52 = tpu.memref_slice %arg4[%add3A_48, %dma_start3A_51] : memref<16384x1024xf32, #tpu.memory_space<hbm>> -> memref<16x1024xf32, #tpu.memory_space<hbm>>
    tpu.enqueue_dma source(%arg7 : memref<16x1024xf32, #tpu.memory_space<vmem>>) target(%dma_start3A_52 : memref<16x1024xf32, #tpu.memory_space<hbm>>) target_semaphore(%arg19 : memref<!tpu.dma_semaphore, #tpu.memory_space<semaphore_mem>>)
    %add3A_53 = arith.constant 0 : i32
    %add3A_54 = arith.addi %mul3A_2, %add3A_53 : i32
    %dma_wait3A_55 = arith.constant 0 : i32
    %dma_wait3A_56 = tpu.memref_slice %arg4[%add3A_54, %dma_wait3A_55] : memref<16384x1024xf32, #tpu.memory_space<hbm>> -> memref<16x1024xf32, #tpu.memory_space<hbm>>
    %dma_wait3A_57 = arith.constant 0 : i32
    %dma_wait3A_58 = tpu.memref_slice %arg4[%add3A_54, %dma_wait3A_57] : memref<16384x1024xf32, #tpu.memory_space<hbm>> -> memref<16x1024xf32, #tpu.memory_space<hbm>>
    tpu.wait_dma2 semaphore(%arg18 : memref<!tpu.dma_semaphore, #tpu.memory_space<semaphore_mem>>) src(%arg6 : memref<16x1024xf32, #tpu.memory_space<vmem>>) dst(%dma_wait3A_58 : memref<16x1024xf32, #tpu.memory_space<hbm>>)
    %dma_start3A_59 = arith.constant 96 : i32
    %dma_start3A_60 = tpu.memref_slice %arg5[%dma_start3A_59] : memref<512xi32, #tpu.memory_space<vmem>> -> memref<16xi32, #tpu.memory_space<vmem>>
    %dma_start3A_61 = arith.constant 0 : i32
    %dma_start3A_62 = arith.constant 0 : i32
    %dma_start3A_63 = tpu.memref_slice %arg2[%dma_start3A_61, %dma_start3A_62] : memref<8192x1024xf32, #tpu.memory_space<hbm>> -> memref<8192x1024xf32, #tpu.memory_space<hbm>>
    tpu.enqueue_indirect_dma source(%dma_start3A_63 : memref<8192x1024xf32, #tpu.memory_space<hbm>>) target(%arg6 : memref<16x1024xf32, #tpu.memory_space<vmem>>) offsets(%dma_start3A_60 : memref<16xi32, #tpu.memory_space<vmem>>) semaphore(%arg12 : memref<!tpu.dma_semaphore, #tpu.memory_space<semaphore_mem>>)
    %dma_wait3A_64 = arith.constant 32 : i32
    %dma_wait3A_65 = tpu.memref_slice %arg5[%dma_wait3A_64] : memref<512xi32, #tpu.memory_space<vmem>> -> memref<16xi32, #tpu.memory_space<vmem>>
    %dma_wait3A_66 = arith.constant 0 : i32
    %dma_wait3A_67 = arith.constant 0 : i32
    %dma_wait3A_68 = tpu.memref_slice %arg2[%dma_wait3A_66, %dma_wait3A_67] : memref<8192x1024xf32, #tpu.memory_space<hbm>> -> memref<8192x1024xf32, #tpu.memory_space<hbm>>
    tpu.wait_indirect_dma semaphore(%arg14 : memref<!tpu.dma_semaphore, #tpu.memory_space<semaphore_mem>>) src(%dma_wait3A_68 : memref<8192x1024xf32, #tpu.memory_space<hbm>>) dst(%arg8 : memref<16x1024xf32, #tpu.memory_space<vmem>>)
    %add3A_69 = arith.constant 32 : i32
    %add3A_70 = arith.addi %mul3A_2, %add3A_69 : i32
    %dma_start3A_71 = arith.constant 0 : i32
    %dma_start3A_72 = tpu.memref_slice %arg4[%add3A_70, %dma_start3A_71] : memref<16384x1024xf32, #tpu.memory_space<hbm>> -> memref<16x1024xf32, #tpu.memory_space<hbm>>
    %dma_start3A_73 = arith.constant 0 : i32
    %dma_start3A_74 = tpu.memref_slice %arg4[%add3A_70, %dma_start3A_73] : memref<16384x1024xf32, #tpu.memory_space<hbm>> -> memref<16x1024xf32, #tpu.memory_space<hbm>>
    tpu.enqueue_dma source(%arg8 : memref<16x1024xf32, #tpu.memory_space<vmem>>) target(%dma_start3A_74 : memref<16x1024xf32, #tpu.memory_space<hbm>>) target_semaphore(%arg20 : memref<!tpu.dma_semaphore, #tpu.memory_space<semaphore_mem>>)
    %add3A_75 = arith.constant 16 : i32
    %add3A_76 = arith.addi %mul3A_2, %add3A_75 : i32
    %dma_wait3A_77 = arith.constant 0 : i32
    %dma_wait3A_78 = tpu.memref_slice %arg4[%add3A_76, %dma_wait3A_77] : memref<16384x1024xf32, #tpu.memory_space<hbm>> -> memref<16x1024xf32, #tpu.memory_space<hbm>>
    %dma_wait3A_79 = arith.constant 0 : i32
    %dma_wait3A_80 = tpu.memref_slice %arg4[%add3A_76, %dma_wait3A_79] : memref<16384x1024xf32, #tpu.memory_space<hbm>> -> memref<16x1024xf32, #tpu.memory_space<hbm>>
    tpu.wait_dma2 semaphore(%arg19 : memref<!tpu.dma_semaphore, #tpu.memory_space<semaphore_mem>>) src(%arg7 : memref<16x1024xf32, #tpu.memory_space<vmem>>) dst(%dma_wait3A_80 : memref<16x1024xf32, #tpu.memory_space<hbm>>)
    %dma_start3A_81 = arith.constant 112 : i32
    %dma_start3A_82 = tpu.memref_slice %arg5[%dma_start3A_81] : memref<512xi32, #tpu.memory_space<vmem>> -> memref<16xi32, #tpu.memory_space<vmem>>
    %dma_start3A_83 = arith.constant 0 : i32
    %dma_start3A_84 = arith.constant 0 : i32
    %dma_start3A_85 = tpu.memref_slice %arg2[%dma_start3A_83, %dma_start3A_84] : memref<8192x1024xf32, #tpu.memory_space<hbm>> -> memref<8192x1024xf32, #tpu.memory_space<hbm>>
    tpu.enqueue_indirect_dma source(%dma_start3A_85 : memref<8192x1024xf32, #tpu.memory_space<hbm>>) target(%arg7 : memref<16x1024xf32, #tpu.memory_space<vmem>>) offsets(%dma_start3A_82 : memref<16xi32, #tpu.memory_space<vmem>>) semaphore(%arg13 : memref<!tpu.dma_semaphore, #tpu.memory_space<semaphore_mem>>)
    %dma_wait3A_86 = arith.constant 48 : i32
    %dma_wait3A_87 = tpu.memref_slice %arg5[%dma_wait3A_86] : memref<512xi32, #tpu.memory_space<vmem>> -> memref<16xi32, #tpu.memory_space<vmem>>
    %dma_wait3A_88 = arith.constant 0 : i32
    %dma_wait3A_89 = arith.constant 0 : i32
    %dma_wait3A_90 = tpu.memref_slice %arg2[%dma_wait3A_88, %dma_wait3A_89] : memref<8192x1024xf32, #tpu.memory_space<hbm>> -> memref<8192x1024xf32, #tpu.memory_space<hbm>>
    tpu.wait_indirect_dma semaphore(%arg15 : memref<!tpu.dma_semaphore, #tpu.memory_space<semaphore_mem>>) src(%dma_wait3A_90 : memref<8192x1024xf32, #tpu.memory_space<hbm>>) dst(%arg9 : memref<16x1024xf32, #tpu.memory_space<vmem>>)
    %add3A_91 = arith.constant 48 : i32
    %add3A_92 = arith.addi %mul3A_2, %add3A_91 : i32
    %dma_start3A_93 = arith.constant 0 : i32
    %dma_start3A_94 = tpu.memref_slice %arg4[%add3A_92, %dma_start3A_93] : memref<16384x1024xf32, #tpu.memory_space<hbm>> -> memref<16x1024xf32, #tpu.memory_space<hbm>>
    %dma_start3A_95 = arith.constant 0 : i32
    %dma_start3A_96 = tpu.memref_slice %arg4[%add3A_92, %dma_start3A_95] : memref<16384x1024xf32, #tpu.memory_space<hbm>> -> memref<16x1024xf32, #tpu.memory_space<hbm>>
    tpu.enqueue_dma source(%arg9 : memref<16x1024xf32, #tpu.memory_space<vmem>>) target(%dma_start3A_96 : memref<16x1024xf32, #tpu.memory_space<hbm>>) target_semaphore(%arg21 : memref<!tpu.dma_semaphore, #tpu.memory_space<semaphore_mem>>)
    %add3A_97 = arith.constant 32 : i32
    %add3A_98 = arith.addi %mul3A_2, %add3A_97 : i32
    %dma_wait3A_99 = arith.constant 0 : i32
    %dma_wait3A_100 = tpu.memref_slice %arg4[%add3A_98, %dma_wait3A_99] : memref<16384x1024xf32, #tpu.memory_space<hbm>> -> memref<16x1024xf32, #tpu.memory_space<hbm>>
    %dma_wait3A_101 = arith.constant 0 : i32
    %dma_wait3A_102 = tpu.memref_slice %arg4[%add3A_98, %dma_wait3A_101] : memref<16384x1024xf32, #tpu.memory_space<hbm>> -> memref<16x1024xf32, #tpu.memory_space<hbm>>
    tpu.wait_dma2 semaphore(%arg20 : memref<!tpu.dma_semaphore, #tpu.memory_space<semaphore_mem>>) src(%arg8 : memref<16x1024xf32, #tpu.memory_space<vmem>>) dst(%dma_wait3A_102 : memref<16x1024xf32, #tpu.memory_space<hbm>>)
    %dma_start3A_103 = arith.constant 128 : i32
    %dma_start3A_104 = tpu.memref_slice %arg5[%dma_start3A_103] : memref<512xi32, #tpu.memory_space<vmem>> -> memref<16xi32, #tpu.memory_space<vmem>>
    %dma_start3A_105 = arith.constant 0 : i32
    %dma_start3A_106 = arith.constant 0 : i32
    %dma_start3A_107 = tpu.memref_slice %arg2[%dma_start3A_105, %dma_start3A_106] : memref<8192x1024xf32, #tpu.memory_space<hbm>> -> memref<8192x1024xf32, #tpu.memory_space<hbm>>
    tpu.enqueue_indirect_dma source(%dma_start3A_107 : memref<8192x1024xf32, #tpu.memory_space<hbm>>) target(%arg8 : memref<16x1024xf32, #tpu.memory_space<vmem>>) offsets(%dma_start3A_104 : memref<16xi32, #tpu.memory_space<vmem>>) semaphore(%arg14 : memref<!tpu.dma_semaphore, #tpu.memory_space<semaphore_mem>>)
    %dma_wait3A_108 = arith.constant 64 : i32
    %dma_wait3A_109 = tpu.memref_slice %arg5[%dma_wait3A_108] : memref<512xi32, #tpu.memory_space<vmem>> -> memref<16xi32, #tpu.memory_space<vmem>>
    %dma_wait3A_110 = arith.constant 0 : i32
    %dma_wait3A_111 = arith.constant 0 : i32
    %dma_wait3A_112 = tpu.memref_slice %arg2[%dma_wait3A_110, %dma_wait3A_111] : memref<8192x1024xf32, #tpu.memory_space<hbm>> -> memref<8192x1024xf32, #tpu.memory_space<hbm>>
    tpu.wait_indirect_dma semaphore(%arg16 : memref<!tpu.dma_semaphore, #tpu.memory_space<semaphore_mem>>) src(%dma_wait3A_112 : memref<8192x1024xf32, #tpu.memory_space<hbm>>) dst(%arg10 : memref<16x1024xf32, #tpu.memory_space<vmem>>)
    %add3A_113 = arith.constant 64 : i32
    %add3A_114 = arith.addi %mul3A_2, %add3A_113 : i32
    %dma_start3A_115 = arith.constant 0 : i32
    %dma_start3A_116 = tpu.memref_slice %arg4[%add3A_114, %dma_start3A_115] : memref<16384x1024xf32, #tpu.memory_space<hbm>> -> memref<16x1024xf32, #tpu.memory_space<hbm>>
    %dma_start3A_117 = arith.constant 0 : i32
    %dma_start3A_118 = tpu.memref_slice %arg4[%add3A_114, %dma_start3A_117] : memref<16384x1024xf32, #tpu.memory_space<hbm>> -> memref<16x1024xf32, #tpu.memory_space<hbm>>
    tpu.enqueue_dma source(%arg10 : memref<16x1024xf32, #tpu.memory_space<vmem>>) target(%dma_start3A_118 : memref<16x1024xf32, #tpu.memory_space<hbm>>) target_semaphore(%arg22 : memref<!tpu.dma_semaphore, #tpu.memory_space<semaphore_mem>>)
    %add3A_119 = arith.constant 48 : i32
    %add3A_120 = arith.addi %mul3A_2, %add3A_119 : i32
    %dma_wait3A_121 = arith.constant 0 : i32
    %dma_wait3A_122 = tpu.memref_slice %arg4[%add3A_120, %dma_wait3A_121] : memref<16384x1024xf32, #tpu.memory_space<hbm>> -> memref<16x1024xf32, #tpu.memory_space<hbm>>
    %dma_wait3A_123 = arith.constant 0 : i32
    %dma_wait3A_124 = tpu.memref_slice %arg4[%add3A_120, %dma_wait3A_123] : memref<16384x1024xf32, #tpu.memory_space<hbm>> -> memref<16x1024xf32, #tpu.memory_space<hbm>>
    tpu.wait_dma2 semaphore(%arg21 : memref<!tpu.dma_semaphore, #tpu.memory_space<semaphore_mem>>) src(%arg9 : memref<16x1024xf32, #tpu.memory_space<vmem>>) dst(%dma_wait3A_124 : memref<16x1024xf32, #tpu.memory_space<hbm>>)
    %dma_start3A_125 = arith.constant 144 : i32
    %dma_start3A_126 = tpu.memref_slice %arg5[%dma_start3A_125] : memref<512xi32, #tpu.memory_space<vmem>> -> memref<16xi32, #tpu.memory_space<vmem>>
    %dma_start3A_127 = arith.constant 0 : i32
    %dma_start3A_128 = arith.constant 0 : i32
    %dma_start3A_129 = tpu.memref_slice %arg2[%dma_start3A_127, %dma_start3A_128] : memref<8192x1024xf32, #tpu.memory_space<hbm>> -> memref<8192x1024xf32, #tpu.memory_space<hbm>>
    tpu.enqueue_indirect_dma source(%dma_start3A_129 : memref<8192x1024xf32, #tpu.memory_space<hbm>>) target(%arg9 : memref<16x1024xf32, #tpu.memory_space<vmem>>) offsets(%dma_start3A_126 : memref<16xi32, #tpu.memory_space<vmem>>) semaphore(%arg15 : memref<!tpu.dma_semaphore, #tpu.memory_space<semaphore_mem>>)
    %dma_wait3A_130 = arith.constant 80 : i32
    %dma_wait3A_131 = tpu.memref_slice %arg5[%dma_wait3A_130] : memref<512xi32, #tpu.memory_space<vmem>> -> memref<16xi32, #tpu.memory_space<vmem>>
    %dma_wait3A_132 = arith.constant 0 : i32
    %dma_wait3A_133 = arith.constant 0 : i32
    %dma_wait3A_134 = tpu.memref_slice %arg2[%dma_wait3A_132, %dma_wait3A_133] : memref<8192x1024xf32, #tpu.memory_space<hbm>> -> memref<8192x1024xf32, #tpu.memory_space<hbm>>
    tpu.wait_indirect_dma semaphore(%arg17 : memref<!tpu.dma_semaphore, #tpu.memory_space<semaphore_mem>>) src(%dma_wait3A_134 : memref<8192x1024xf32, #tpu.memory_space<hbm>>) dst(%arg11 : memref<16x1024xf32, #tpu.memory_space<vmem>>)
    %add3A_135 = arith.constant 80 : i32
    %add3A_136 = arith.addi %mul3A_2, %add3A_135 : i32
    %dma_start3A_137 = arith.constant 0 : i32
    %dma_start3A_138 = tpu.memref_slice %arg4[%add3A_136, %dma_start3A_137] : memref<16384x1024xf32, #tpu.memory_space<hbm>> -> memref<16x1024xf32, #tpu.memory_space<hbm>>
    %dma_start3A_139 = arith.constant 0 : i32
    %dma_start3A_140 = tpu.memref_slice %arg4[%add3A_136, %dma_start3A_139] : memref<16384x1024xf32, #tpu.memory_space<hbm>> -> memref<16x1024xf32, #tpu.memory_space<hbm>>
    tpu.enqueue_dma source(%arg11 : memref<16x1024xf32, #tpu.memory_space<vmem>>) target(%dma_start3A_140 : memref<16x1024xf32, #tpu.memory_space<hbm>>) target_semaphore(%arg23 : memref<!tpu.dma_semaphore, #tpu.memory_space<semaphore_mem>>)
    %add3A_141 = arith.constant 64 : i32
    %add3A_142 = arith.addi %mul3A_2, %add3A_141 : i32
    %dma_wait3A_143 = arith.constant 0 : i32
    %dma_wait3A_144 = tpu.memref_slice %arg4[%add3A_142, %dma_wait3A_143] : memref<16384x1024xf32, #tpu.memory_space<hbm>> -> memref<16x1024xf32, #tpu.memory_space<hbm>>
    %dma_wait3A_145 = arith.constant 0 : i32
    %dma_wait3A_146 = tpu.memref_slice %arg4[%add3A_142, %dma_wait3A_145] : memref<16384x1024xf32, #tpu.memory_space<hbm>> -> memref<16x1024xf32, #tpu.memory_space<hbm>>
    tpu.wait_dma2 semaphore(%arg22 : memref<!tpu.dma_semaphore, #tpu.memory_space<semaphore_mem>>) src(%arg10 : memref<16x1024xf32, #tpu.memory_space<vmem>>) dst(%dma_wait3A_146 : memref<16x1024xf32, #tpu.memory_space<hbm>>)
    %dma_start3A_147 = arith.constant 160 : i32
    %dma_start3A_148 = tpu.memref_slice %arg5[%dma_start3A_147] : memref<512xi32, #tpu.memory_space<vmem>> -> memref<16xi32, #tpu.memory_space<vmem>>
    %dma_start3A_149 = arith.constant 0 : i32
    %dma_start3A_150 = arith.constant 0 : i32
    %dma_start3A_151 = tpu.memref_slice %arg2[%dma_start3A_149, %dma_start3A_150] : memref<8192x1024xf32, #tpu.memory_space<hbm>> -> memref<8192x1024xf32, #tpu.memory_space<hbm>>
    tpu.enqueue_indirect_dma source(%dma_start3A_151 : memref<8192x1024xf32, #tpu.memory_space<hbm>>) target(%arg10 : memref<16x1024xf32, #tpu.memory_space<vmem>>) offsets(%dma_start3A_148 : memref<16xi32, #tpu.memory_space<vmem>>) semaphore(%arg16 : memref<!tpu.dma_semaphore, #tpu.memory_space<semaphore_mem>>)
    %dma_wait3A_152 = arith.constant 96 : i32
    %dma_wait3A_153 = tpu.memref_slice %arg5[%dma_wait3A_152] : memref<512xi32, #tpu.memory_space<vmem>> -> memref<16xi32, #tpu.memory_space<vmem>>
    %dma_wait3A_154 = arith.constant 0 : i32
    %dma_wait3A_155 = arith.constant 0 : i32
    %dma_wait3A_156 = tpu.memref_slice %arg2[%dma_wait3A_154, %dma_wait3A_155] : memref<8192x1024xf32, #tpu.memory_space<hbm>> -> memref<8192x1024xf32, #tpu.memory_space<hbm>>
    tpu.wait_indirect_dma semaphore(%arg12 : memref<!tpu.dma_semaphore, #tpu.memory_space<semaphore_mem>>) src(%dma_wait3A_156 : memref<8192x1024xf32, #tpu.memory_space<hbm>>) dst(%arg6 : memref<16x1024xf32, #tpu.memory_space<vmem>>)
    %add3A_157 = arith.constant 96 : i32
    %add3A_158 = arith.addi %mul3A_2, %add3A_157 : i32
    %dma_start3A_159 = arith.constant 0 : i32
    %dma_start3A_160 = tpu.memref_slice %arg4[%add3A_158, %dma_start3A_159] : memref<16384x1024xf32, #tpu.memory_space<hbm>> -> memref<16x1024xf32, #tpu.memory_space<hbm>>
    %dma_start3A_161 = arith.constant 0 : i32
    %dma_start3A_162 = tpu.memref_slice %arg4[%add3A_158, %dma_start3A_161] : memref<16384x1024xf32, #tpu.memory_space<hbm>> -> memref<16x1024xf32, #tpu.memory_space<hbm>>
    tpu.enqueue_dma source(%arg6 : memref<16x1024xf32, #tpu.memory_space<vmem>>) target(%dma_start3A_162 : memref<16x1024xf32, #tpu.memory_space<hbm>>) target_semaphore(%arg18 : memref<!tpu.dma_semaphore, #tpu.memory_space<semaphore_mem>>)
    %add3A_163 = arith.constant 80 : i32
    %add3A_164 = arith.addi %mul3A_2, %add3A_163 : i32
    %dma_wait3A_165 = arith.constant 0 : i32
    %dma_wait3A_166 = tpu.memref_slice %arg4[%add3A_164, %dma_wait3A_165] : memref<16384x1024xf32, #tpu.memory_space<hbm>> -> memref<16x1024xf32, #tpu.memory_space<hbm>>
    %dma_wait3A_167 = arith.constant 0 : i32
    %dma_wait3A_168 = tpu.memref_slice %arg4[%add3A_164, %dma_wait3A_167] : memref<16384x1024xf32, #tpu.memory_space<hbm>> -> memref<16x1024xf32, #tpu.memory_space<hbm>>
    tpu.wait_dma2 semaphore(%arg23 : memref<!tpu.dma_semaphore, #tpu.memory_space<semaphore_mem>>) src(%arg11 : memref<16x1024xf32, #tpu.memory_space<vmem>>) dst(%dma_wait3A_168 : memref<16x1024xf32, #tpu.memory_space<hbm>>)
    %dma_start3A_169 = arith.constant 176 : i32
    %dma_start3A_170 = tpu.memref_slice %arg5[%dma_start3A_169] : memref<512xi32, #tpu.memory_space<vmem>> -> memref<16xi32, #tpu.memory_space<vmem>>
    %dma_start3A_171 = arith.constant 0 : i32
    %dma_start3A_172 = arith.constant 0 : i32
    %dma_start3A_173 = tpu.memref_slice %arg2[%dma_start3A_171, %dma_start3A_172] : memref<8192x1024xf32, #tpu.memory_space<hbm>> -> memref<8192x1024xf32, #tpu.memory_space<hbm>>
    tpu.enqueue_indirect_dma source(%dma_start3A_173 : memref<8192x1024xf32, #tpu.memory_space<hbm>>) target(%arg11 : memref<16x1024xf32, #tpu.memory_space<vmem>>) offsets(%dma_start3A_170 : memref<16xi32, #tpu.memory_space<vmem>>) semaphore(%arg17 : memref<!tpu.dma_semaphore, #tpu.memory_space<semaphore_mem>>)
    %dma_wait3A_174 = arith.constant 112 : i32
    %dma_wait3A_175 = tpu.memref_slice %arg5[%dma_wait3A_174] : memref<512xi32, #tpu.memory_space<vmem>> -> memref<16xi32, #tpu.memory_space<vmem>>
    %dma_wait3A_176 = arith.constant 0 : i32
    %dma_wait3A_177 = arith.constant 0 : i32
    %dma_wait3A_178 = tpu.memref_slice %arg2[%dma_wait3A_176, %dma_wait3A_177] : memref<8192x1024xf32, #tpu.memory_space<hbm>> -> memref<8192x1024xf32, #tpu.memory_space<hbm>>
    tpu.wait_indirect_dma semaphore(%arg13 : memref<!tpu.dma_semaphore, #tpu.memory_space<semaphore_mem>>) src(%dma_wait3A_178 : memref<8192x1024xf32, #tpu.memory_space<hbm>>) dst(%arg7 : memref<16x1024xf32, #tpu.memory_space<vmem>>)
    %add3A_179 = arith.constant 112 : i32
    %add3A_180 = arith.addi %mul3A_2, %add3A_179 : i32
    %dma_start3A_181 = arith.constant 0 : i32
    %dma_start3A_182 = tpu.memref_slice %arg4[%add3A_180, %dma_start3A_181] : memref<16384x1024xf32, #tpu.memory_space<hbm>> -> memref<16x1024xf32, #tpu.memory_space<hbm>>
    %dma_start3A_183 = arith.constant 0 : i32
    %dma_start3A_184 = tpu.memref_slice %arg4[%add3A_180, %dma_start3A_183] : memref<16384x1024xf32, #tpu.memory_space<hbm>> -> memref<16x1024xf32, #tpu.memory_space<hbm>>
    tpu.enqueue_dma source(%arg7 : memref<16x1024xf32, #tpu.memory_space<vmem>>) target(%dma_start3A_184 : memref<16x1024xf32, #tpu.memory_space<hbm>>) target_semaphore(%arg19 : memref<!tpu.dma_semaphore, #tpu.memory_space<semaphore_mem>>)
    %add3A_185 = arith.constant 96 : i32
    %add3A_186 = arith.addi %mul3A_2, %add3A_185 : i32
    %dma_wait3A_187 = arith.constant 0 : i32
    %dma_wait3A_188 = tpu.memref_slice %arg4[%add3A_186, %dma_wait3A_187] : memref<16384x1024xf32, #tpu.memory_space<hbm>> -> memref<16x1024xf32, #tpu.memory_space<hbm>>
    %dma_wait3A_189 = arith.constant 0 : i32
    %dma_wait3A_190 = tpu.memref_slice %arg4[%add3A_186, %dma_wait3A_189] : memref<16384x1024xf32, #tpu.memory_space<hbm>> -> memref<16x1024xf32, #tpu.memory_space<hbm>>
    tpu.wait_dma2 semaphore(%arg18 : memref<!tpu.dma_semaphore, #tpu.memory_space<semaphore_mem>>) src(%arg6 : memref<16x1024xf32, #tpu.memory_space<vmem>>) dst(%dma_wait3A_190 : memref<16x1024xf32, #tpu.memory_space<hbm>>)
    %dma_start3A_191 = arith.constant 192 : i32
    %dma_start3A_192 = tpu.memref_slice %arg5[%dma_start3A_191] : memref<512xi32, #tpu.memory_space<vmem>> -> memref<16xi32, #tpu.memory_space<vmem>>
    %dma_start3A_193 = arith.constant 0 : i32
    %dma_start3A_194 = arith.constant 0 : i32
    %dma_start3A_195 = tpu.memref_slice %arg2[%dma_start3A_193, %dma_start3A_194] : memref<8192x1024xf32, #tpu.memory_space<hbm>> -> memref<8192x1024xf32, #tpu.memory_space<hbm>>
    tpu.enqueue_indirect_dma source(%dma_start3A_195 : memref<8192x1024xf32, #tpu.memory_space<hbm>>) target(%arg6 : memref<16x1024xf32, #tpu.memory_space<vmem>>) offsets(%dma_start3A_192 : memref<16xi32, #tpu.memory_space<vmem>>) semaphore(%arg12 : memref<!tpu.dma_semaphore, #tpu.memory_space<semaphore_mem>>)
    %dma_wait3A_196 = arith.constant 128 : i32
    %dma_wait3A_197 = tpu.memref_slice %arg5[%dma_wait3A_196] : memref<512xi32, #tpu.memory_space<vmem>> -> memref<16xi32, #tpu.memory_space<vmem>>
    %dma_wait3A_198 = arith.constant 0 : i32
    %dma_wait3A_199 = arith.constant 0 : i32
    %dma_wait3A_200 = tpu.memref_slice %arg2[%dma_wait3A_198, %dma_wait3A_199] : memref<8192x1024xf32, #tpu.memory_space<hbm>> -> memref<8192x1024xf32, #tpu.memory_space<hbm>>
    tpu.wait_indirect_dma semaphore(%arg14 : memref<!tpu.dma_semaphore, #tpu.memory_space<semaphore_mem>>) src(%dma_wait3A_200 : memref<8192x1024xf32, #tpu.memory_space<hbm>>) dst(%arg8 : memref<16x1024xf32, #tpu.memory_space<vmem>>)
    %add3A_201 = arith.constant 128 : i32
    %add3A_202 = arith.addi %mul3A_2, %add3A_201 : i32
    %dma_start3A_203 = arith.constant 0 : i32
    %dma_start3A_204 = tpu.memref_slice %arg4[%add3A_202, %dma_start3A_203] : memref<16384x1024xf32, #tpu.memory_space<hbm>> -> memref<16x1024xf32, #tpu.memory_space<hbm>>
    %dma_start3A_205 = arith.constant 0 : i32
    %dma_start3A_206 = tpu.memref_slice %arg4[%add3A_202, %dma_start3A_205] : memref<16384x1024xf32, #tpu.memory_space<hbm>> -> memref<16x1024xf32, #tpu.memory_space<hbm>>
    tpu.enqueue_dma source(%arg8 : memref<16x1024xf32, #tpu.memory_space<vmem>>) target(%dma_start3A_206 : memref<16x1024xf32, #tpu.memory_space<hbm>>) target_semaphore(%arg20 : memref<!tpu.dma_semaphore, #tpu.memory_space<semaphore_mem>>)
    %add3A_207 = arith.constant 112 : i32
    %add3A_208 = arith.addi %mul3A_2, %add3A_207 : i32
    %dma_wait3A_209 = arith.constant 0 : i32
    %dma_wait3A_210 = tpu.memref_slice %arg4[%add3A_208, %dma_wait3A_209] : memref<16384x1024xf32, #tpu.memory_space<hbm>> -> memref<16x1024xf32, #tpu.memory_space<hbm>>
    %dma_wait3A_211 = arith.constant 0 : i32
    %dma_wait3A_212 = tpu.memref_slice %arg4[%add3A_208, %dma_wait3A_211] : memref<16384x1024xf32, #tpu.memory_space<hbm>> -> memref<16x1024xf32, #tpu.memory_space<hbm>>
    tpu.wait_dma2 semaphore(%arg19 : memref<!tpu.dma_semaphore, #tpu.memory_space<semaphore_mem>>) src(%arg7 : memref<16x1024xf32, #tpu.memory_space<vmem>>) dst(%dma_wait3A_212 : memref<16x1024xf32, #tpu.memory_space<hbm>>)
    %dma_start3A_213 = arith.constant 208 : i32
    %dma_start3A_214 = tpu.memref_slice %arg5[%dma_start3A_213] : memref<512xi32, #tpu.memory_space<vmem>> -> memref<16xi32, #tpu.memory_space<vmem>>
    %dma_start3A_215 = arith.constant 0 : i32
    %dma_start3A_216 = arith.constant 0 : i32
    %dma_start3A_217 = tpu.memref_slice %arg2[%dma_start3A_215, %dma_start3A_216] : memref<8192x1024xf32, #tpu.memory_space<hbm>> -> memref<8192x1024xf32, #tpu.memory_space<hbm>>
    tpu.enqueue_indirect_dma source(%dma_start3A_217 : memref<8192x1024xf32, #tpu.memory_space<hbm>>) target(%arg7 : memref<16x1024xf32, #tpu.memory_space<vmem>>) offsets(%dma_start3A_214 : memref<16xi32, #tpu.memory_space<vmem>>) semaphore(%arg13 : memref<!tpu.dma_semaphore, #tpu.memory_space<semaphore_mem>>)
    %dma_wait3A_218 = arith.constant 144 : i32
    %dma_wait3A_219 = tpu.memref_slice %arg5[%dma_wait3A_218] : memref<512xi32, #tpu.memory_space<vmem>> -> memref<16xi32, #tpu.memory_space<vmem>>
    %dma_wait3A_220 = arith.constant 0 : i32
    %dma_wait3A_221 = arith.constant 0 : i32
    %dma_wait3A_222 = tpu.memref_slice %arg2[%dma_wait3A_220, %dma_wait3A_221] : memref<8192x1024xf32, #tpu.memory_space<hbm>> -> memref<8192x1024xf32, #tpu.memory_space<hbm>>
    tpu.wait_indirect_dma semaphore(%arg15 : memref<!tpu.dma_semaphore, #tpu.memory_space<semaphore_mem>>) src(%dma_wait3A_222 : memref<8192x1024xf32, #tpu.memory_space<hbm>>) dst(%arg9 : memref<16x1024xf32, #tpu.memory_space<vmem>>)
    %add3A_223 = arith.constant 144 : i32
    %add3A_224 = arith.addi %mul3A_2, %add3A_223 : i32
    %dma_start3A_225 = arith.constant 0 : i32
    %dma_start3A_226 = tpu.memref_slice %arg4[%add3A_224, %dma_start3A_225] : memref<16384x1024xf32, #tpu.memory_space<hbm>> -> memref<16x1024xf32, #tpu.memory_space<hbm>>
    %dma_start3A_227 = arith.constant 0 : i32
    %dma_start3A_228 = tpu.memref_slice %arg4[%add3A_224, %dma_start3A_227] : memref<16384x1024xf32, #tpu.memory_space<hbm>> -> memref<16x1024xf32, #tpu.memory_space<hbm>>
    tpu.enqueue_dma source(%arg9 : memref<16x1024xf32, #tpu.memory_space<vmem>>) target(%dma_start3A_228 : memref<16x1024xf32, #tpu.memory_space<hbm>>) target_semaphore(%arg21 : memref<!tpu.dma_semaphore, #tpu.memory_space<semaphore_mem>>)
    %add3A_229 = arith.constant 128 : i32
    %add3A_230 = arith.addi %mul3A_2, %add3A_229 : i32
    %dma_wait3A_231 = arith.constant 0 : i32
    %dma_wait3A_232 = tpu.memref_slice %arg4[%add3A_230, %dma_wait3A_231] : memref<16384x1024xf32, #tpu.memory_space<hbm>> -> memref<16x1024xf32, #tpu.memory_space<hbm>>
    %dma_wait3A_233 = arith.constant 0 : i32
    %dma_wait3A_234 = tpu.memref_slice %arg4[%add3A_230, %dma_wait3A_233] : memref<16384x1024xf32, #tpu.memory_space<hbm>> -> memref<16x1024xf32, #tpu.memory_space<hbm>>
    tpu.wait_dma2 semaphore(%arg20 : memref<!tpu.dma_semaphore, #tpu.memory_space<semaphore_mem>>) src(%arg8 : memref<16x1024xf32, #tpu.memory_space<vmem>>) dst(%dma_wait3A_234 : memref<16x1024xf32, #tpu.memory_space<hbm>>)
    %dma_start3A_235 = arith.constant 224 : i32
    %dma_start3A_236 = tpu.memref_slice %arg5[%dma_start3A_235] : memref<512xi32, #tpu.memory_space<vmem>> -> memref<16xi32, #tpu.memory_space<vmem>>
    %dma_start3A_237 = arith.constant 0 : i32
    %dma_start3A_238 = arith.constant 0 : i32
    %dma_start3A_239 = tpu.memref_slice %arg2[%dma_start3A_237, %dma_start3A_238] : memref<8192x1024xf32, #tpu.memory_space<hbm>> -> memref<8192x1024xf32, #tpu.memory_space<hbm>>
    tpu.enqueue_indirect_dma source(%dma_start3A_239 : memref<8192x1024xf32, #tpu.memory_space<hbm>>) target(%arg8 : memref<16x1024xf32, #tpu.memory_space<vmem>>) offsets(%dma_start3A_236 : memref<16xi32, #tpu.memory_space<vmem>>) semaphore(%arg14 : memref<!tpu.dma_semaphore, #tpu.memory_space<semaphore_mem>>)
    %dma_wait3A_240 = arith.constant 160 : i32
    %dma_wait3A_241 = tpu.memref_slice %arg5[%dma_wait3A_240] : memref<512xi32, #tpu.memory_space<vmem>> -> memref<16xi32, #tpu.memory_space<vmem>>
    %dma_wait3A_242 = arith.constant 0 : i32
    %dma_wait3A_243 = arith.constant 0 : i32
    %dma_wait3A_244 = tpu.memref_slice %arg2[%dma_wait3A_242, %dma_wait3A_243] : memref<8192x1024xf32, #tpu.memory_space<hbm>> -> memref<8192x1024xf32, #tpu.memory_space<hbm>>
    tpu.wait_indirect_dma semaphore(%arg16 : memref<!tpu.dma_semaphore, #tpu.memory_space<semaphore_mem>>) src(%dma_wait3A_244 : memref<8192x1024xf32, #tpu.memory_space<hbm>>) dst(%arg10 : memref<16x1024xf32, #tpu.memory_space<vmem>>)
    %add3A_245 = arith.constant 160 : i32
    %add3A_246 = arith.addi %mul3A_2, %add3A_245 : i32
    %dma_start3A_247 = arith.constant 0 : i32
    %dma_start3A_248 = tpu.memref_slice %arg4[%add3A_246, %dma_start3A_247] : memref<16384x1024xf32, #tpu.memory_space<hbm>> -> memref<16x1024xf32, #tpu.memory_space<hbm>>
    %dma_start3A_249 = arith.constant 0 : i32
    %dma_start3A_250 = tpu.memref_slice %arg4[%add3A_246, %dma_start3A_249] : memref<16384x1024xf32, #tpu.memory_space<hbm>> -> memref<16x1024xf32, #tpu.memory_space<hbm>>
    tpu.enqueue_dma source(%arg10 : memref<16x1024xf32, #tpu.memory_space<vmem>>) target(%dma_start3A_250 : memref<16x1024xf32, #tpu.memory_space<hbm>>) target_semaphore(%arg22 : memref<!tpu.dma_semaphore, #tpu.memory_space<semaphore_mem>>)
    %add3A_251 = arith.constant 144 : i32
    %add3A_252 = arith.addi %mul3A_2, %add3A_251 : i32
    %dma_wait3A_253 = arith.constant 0 : i32
    %dma_wait3A_254 = tpu.memref_slice %arg4[%add3A_252, %dma_wait3A_253] : memref<16384x1024xf32, #tpu.memory_space<hbm>> -> memref<16x1024xf32, #tpu.memory_space<hbm>>
    %dma_wait3A_255 = arith.constant 0 : i32
    %dma_wait3A_256 = tpu.memref_slice %arg4[%add3A_252, %dma_wait3A_255] : memref<16384x1024xf32, #tpu.memory_space<hbm>> -> memref<16x1024xf32, #tpu.memory_space<hbm>>
    tpu.wait_dma2 semaphore(%arg21 : memref<!tpu.dma_semaphore, #tpu.memory_space<semaphore_mem>>) src(%arg9 : memref<16x1024xf32, #tpu.memory_space<vmem>>) dst(%dma_wait3A_256 : memref<16x1024xf32, #tpu.memory_space<hbm>>)
    %dma_start3A_257 = arith.constant 240 : i32
    %dma_start3A_258 = tpu.memref_slice %arg5[%dma_start3A_257] : memref<512xi32, #tpu.memory_space<vmem>> -> memref<16xi32, #tpu.memory_space<vmem>>
    %dma_start3A_259 = arith.constant 0 : i32
    %dma_start3A_260 = arith.constant 0 : i32
    %dma_start3A_261 = tpu.memref_slice %arg2[%dma_start3A_259, %dma_start3A_260] : memref<8192x1024xf32, #tpu.memory_space<hbm>> -> memref<8192x1024xf32, #tpu.memory_space<hbm>>
    tpu.enqueue_indirect_dma source(%dma_start3A_261 : memref<8192x1024xf32, #tpu.memory_space<hbm>>) target(%arg9 : memref<16x1024xf32, #tpu.memory_space<vmem>>) offsets(%dma_start3A_258 : memref<16xi32, #tpu.memory_space<vmem>>) semaphore(%arg15 : memref<!tpu.dma_semaphore, #tpu.memory_space<semaphore_mem>>)
    %dma_wait3A_262 = arith.constant 176 : i32
    %dma_wait3A_263 = tpu.memref_slice %arg5[%dma_wait3A_262] : memref<512xi32, #tpu.memory_space<vmem>> -> memref<16xi32, #tpu.memory_space<vmem>>
    %dma_wait3A_264 = arith.constant 0 : i32
    %dma_wait3A_265 = arith.constant 0 : i32
    %dma_wait3A_266 = tpu.memref_slice %arg2[%dma_wait3A_264, %dma_wait3A_265] : memref<8192x1024xf32, #tpu.memory_space<hbm>> -> memref<8192x1024xf32, #tpu.memory_space<hbm>>
    tpu.wait_indirect_dma semaphore(%arg17 : memref<!tpu.dma_semaphore, #tpu.memory_space<semaphore_mem>>) src(%dma_wait3A_266 : memref<8192x1024xf32, #tpu.memory_space<hbm>>) dst(%arg11 : memref<16x1024xf32, #tpu.memory_space<vmem>>)
    %add3A_267 = arith.constant 176 : i32
    %add3A_268 = arith.addi %mul3A_2, %add3A_267 : i32
    %dma_start3A_269 = arith.constant 0 : i32
    %dma_start3A_270 = tpu.memref_slice %arg4[%add3A_268, %dma_start3A_269] : memref<16384x1024xf32, #tpu.memory_space<hbm>> -> memref<16x1024xf32, #tpu.memory_space<hbm>>
    %dma_start3A_271 = arith.constant 0 : i32
    %dma_start3A_272 = tpu.memref_slice %arg4[%add3A_268, %dma_start3A_271] : memref<16384x1024xf32, #tpu.memory_space<hbm>> -> memref<16x1024xf32, #tpu.memory_space<hbm>>
    tpu.enqueue_dma source(%arg11 : memref<16x1024xf32, #tpu.memory_space<vmem>>) target(%dma_start3A_272 : memref<16x1024xf32, #tpu.memory_space<hbm>>) target_semaphore(%arg23 : memref<!tpu.dma_semaphore, #tpu.memory_space<semaphore_mem>>)
    %add3A_273 = arith.constant 160 : i32
    %add3A_274 = arith.addi %mul3A_2, %add3A_273 : i32
    %dma_wait3A_275 = arith.constant 0 : i32
    %dma_wait3A_276 = tpu.memref_slice %arg4[%add3A_274, %dma_wait3A_275] : memref<16384x1024xf32, #tpu.memory_space<hbm>> -> memref<16x1024xf32, #tpu.memory_space<hbm>>
    %dma_wait3A_277 = arith.constant 0 : i32
    %dma_wait3A_278 = tpu.memref_slice %arg4[%add3A_274, %dma_wait3A_277] : memref<16384x1024xf32, #tpu.memory_space<hbm>> -> memref<16x1024xf32, #tpu.memory_space<hbm>>
    tpu.wait_dma2 semaphore(%arg22 : memref<!tpu.dma_semaphore, #tpu.memory_space<semaphore_mem>>) src(%arg10 : memref<16x1024xf32, #tpu.memory_space<vmem>>) dst(%dma_wait3A_278 : memref<16x1024xf32, #tpu.memory_space<hbm>>)
    %dma_start3A_279 = arith.constant 256 : i32
    %dma_start3A_280 = tpu.memref_slice %arg5[%dma_start3A_279] : memref<512xi32, #tpu.memory_space<vmem>> -> memref<16xi32, #tpu.memory_space<vmem>>
    %dma_start3A_281 = arith.constant 0 : i32
    %dma_start3A_282 = arith.constant 0 : i32
    %dma_start3A_283 = tpu.memref_slice %arg2[%dma_start3A_281, %dma_start3A_282] : memref<8192x1024xf32, #tpu.memory_space<hbm>> -> memref<8192x1024xf32, #tpu.memory_space<hbm>>
    tpu.enqueue_indirect_dma source(%dma_start3A_283 : memref<8192x1024xf32, #tpu.memory_space<hbm>>) target(%arg10 : memref<16x1024xf32, #tpu.memory_space<vmem>>) offsets(%dma_start3A_280 : memref<16xi32, #tpu.memory_space<vmem>>) semaphore(%arg16 : memref<!tpu.dma_semaphore, #tpu.memory_space<semaphore_mem>>)
    %dma_wait3A_284 = arith.constant 192 : i32
    %dma_wait3A_285 = tpu.memref_slice %arg5[%dma_wait3A_284] : memref<512xi32, #tpu.memory_space<vmem>> -> memref<16xi32, #tpu.memory_space<vmem>>
    %dma_wait3A_286 = arith.constant 0 : i32
    %dma_wait3A_287 = arith.constant 0 : i32
    %dma_wait3A_288 = tpu.memref_slice %arg2[%dma_wait3A_286, %dma_wait3A_287] : memref<8192x1024xf32, #tpu.memory_space<hbm>> -> memref<8192x1024xf32, #tpu.memory_space<hbm>>
    tpu.wait_indirect_dma semaphore(%arg12 : memref<!tpu.dma_semaphore, #tpu.memory_space<semaphore_mem>>) src(%dma_wait3A_288 : memref<8192x1024xf32, #tpu.memory_space<hbm>>) dst(%arg6 : memref<16x1024xf32, #tpu.memory_space<vmem>>)
    %add3A_289 = arith.constant 192 : i32
    %add3A_290 = arith.addi %mul3A_2, %add3A_289 : i32
    %dma_start3A_291 = arith.constant 0 : i32
    %dma_start3A_292 = tpu.memref_slice %arg4[%add3A_290, %dma_start3A_291] : memref<16384x1024xf32, #tpu.memory_space<hbm>> -> memref<16x1024xf32, #tpu.memory_space<hbm>>
    %dma_start3A_293 = arith.constant 0 : i32
    %dma_start3A_294 = tpu.memref_slice %arg4[%add3A_290, %dma_start3A_293] : memref<16384x1024xf32, #tpu.memory_space<hbm>> -> memref<16x1024xf32, #tpu.memory_space<hbm>>
    tpu.enqueue_dma source(%arg6 : memref<16x1024xf32, #tpu.memory_space<vmem>>) target(%dma_start3A_294 : memref<16x1024xf32, #tpu.memory_space<hbm>>) target_semaphore(%arg18 : memref<!tpu.dma_semaphore, #tpu.memory_space<semaphore_mem>>)
    %add3A_295 = arith.constant 176 : i32
    %add3A_296 = arith.addi %mul3A_2, %add3A_295 : i32
    %dma_wait3A_297 = arith.constant 0 : i32
    %dma_wait3A_298 = tpu.memref_slice %arg4[%add3A_296, %dma_wait3A_297] : memref<16384x1024xf32, #tpu.memory_space<hbm>> -> memref<16x1024xf32, #tpu.memory_space<hbm>>
    %dma_wait3A_299 = arith.constant 0 : i32
    %dma_wait3A_300 = tpu.memref_slice %arg4[%add3A_296, %dma_wait3A_299] : memref<16384x1024xf32, #tpu.memory_space<hbm>> -> memref<16x1024xf32, #tpu.memory_space<hbm>>
    tpu.wait_dma2 semaphore(%arg23 : memref<!tpu.dma_semaphore, #tpu.memory_space<semaphore_mem>>) src(%arg11 : memref<16x1024xf32, #tpu.memory_space<vmem>>) dst(%dma_wait3A_300 : memref<16x1024xf32, #tpu.memory_space<hbm>>)
    %dma_start3A_301 = arith.constant 272 : i32
    %dma_start3A_302 = tpu.memref_slice %arg5[%dma_start3A_301] : memref<512xi32, #tpu.memory_space<vmem>> -> memref<16xi32, #tpu.memory_space<vmem>>
    %dma_start3A_303 = arith.constant 0 : i32
    %dma_start3A_304 = arith.constant 0 : i32
    %dma_start3A_305 = tpu.memref_slice %arg2[%dma_start3A_303, %dma_start3A_304] : memref<8192x1024xf32, #tpu.memory_space<hbm>> -> memref<8192x1024xf32, #tpu.memory_space<hbm>>
    tpu.enqueue_indirect_dma source(%dma_start3A_305 : memref<8192x1024xf32, #tpu.memory_space<hbm>>) target(%arg11 : memref<16x1024xf32, #tpu.memory_space<vmem>>) offsets(%dma_start3A_302 : memref<16xi32, #tpu.memory_space<vmem>>) semaphore(%arg17 : memref<!tpu.dma_semaphore, #tpu.memory_space<semaphore_mem>>)
    %dma_wait3A_306 = arith.constant 208 : i32
    %dma_wait3A_307 = tpu.memref_slice %arg5[%dma_wait3A_306] : memref<512xi32, #tpu.memory_space<vmem>> -> memref<16xi32, #tpu.memory_space<vmem>>
    %dma_wait3A_308 = arith.constant 0 : i32
    %dma_wait3A_309 = arith.constant 0 : i32
    %dma_wait3A_310 = tpu.memref_slice %arg2[%dma_wait3A_308, %dma_wait3A_309] : memref<8192x1024xf32, #tpu.memory_space<hbm>> -> memref<8192x1024xf32, #tpu.memory_space<hbm>>
    tpu.wait_indirect_dma semaphore(%arg13 : memref<!tpu.dma_semaphore, #tpu.memory_space<semaphore_mem>>) src(%dma_wait3A_310 : memref<8192x1024xf32, #tpu.memory_space<hbm>>) dst(%arg7 : memref<16x1024xf32, #tpu.memory_space<vmem>>)
    %add3A_311 = arith.constant 208 : i32
    %add3A_312 = arith.addi %mul3A_2, %add3A_311 : i32
    %dma_start3A_313 = arith.constant 0 : i32
    %dma_start3A_314 = tpu.memref_slice %arg4[%add3A_312, %dma_start3A_313] : memref<16384x1024xf32, #tpu.memory_space<hbm>> -> memref<16x1024xf32, #tpu.memory_space<hbm>>
    %dma_start3A_315 = arith.constant 0 : i32
    %dma_start3A_316 = tpu.memref_slice %arg4[%add3A_312, %dma_start3A_315] : memref<16384x1024xf32, #tpu.memory_space<hbm>> -> memref<16x1024xf32, #tpu.memory_space<hbm>>
    tpu.enqueue_dma source(%arg7 : memref<16x1024xf32, #tpu.memory_space<vmem>>) target(%dma_start3A_316 : memref<16x1024xf32, #tpu.memory_space<hbm>>) target_semaphore(%arg19 : memref<!tpu.dma_semaphore, #tpu.memory_space<semaphore_mem>>)
    %add3A_317 = arith.constant 192 : i32
    %add3A_318 = arith.addi %mul3A_2, %add3A_317 : i32
    %dma_wait3A_319 = arith.constant 0 : i32
    %dma_wait3A_320 = tpu.memref_slice %arg4[%add3A_318, %dma_wait3A_319] : memref<16384x1024xf32, #tpu.memory_space<hbm>> -> memref<16x1024xf32, #tpu.memory_space<hbm>>
    %dma_wait3A_321 = arith.constant 0 : i32
    %dma_wait3A_322 = tpu.memref_slice %arg4[%add3A_318, %dma_wait3A_321] : memref<16384x1024xf32, #tpu.memory_space<hbm>> -> memref<16x1024xf32, #tpu.memory_space<hbm>>
    tpu.wait_dma2 semaphore(%arg18 : memref<!tpu.dma_semaphore, #tpu.memory_space<semaphore_mem>>) src(%arg6 : memref<16x1024xf32, #tpu.memory_space<vmem>>) dst(%dma_wait3A_322 : memref<16x1024xf32, #tpu.memory_space<hbm>>)
    %dma_start3A_323 = arith.constant 288 : i32
    %dma_start3A_324 = tpu.memref_slice %arg5[%dma_start3A_323] : memref<512xi32, #tpu.memory_space<vmem>> -> memref<16xi32, #tpu.memory_space<vmem>>
    %dma_start3A_325 = arith.constant 0 : i32
    %dma_start3A_326 = arith.constant 0 : i32
    %dma_start3A_327 = tpu.memref_slice %arg2[%dma_start3A_325, %dma_start3A_326] : memref<8192x1024xf32, #tpu.memory_space<hbm>> -> memref<8192x1024xf32, #tpu.memory_space<hbm>>
    tpu.enqueue_indirect_dma source(%dma_start3A_327 : memref<8192x1024xf32, #tpu.memory_space<hbm>>) target(%arg6 : memref<16x1024xf32, #tpu.memory_space<vmem>>) offsets(%dma_start3A_324 : memref<16xi32, #tpu.memory_space<vmem>>) semaphore(%arg12 : memref<!tpu.dma_semaphore, #tpu.memory_space<semaphore_mem>>)
    %dma_wait3A_328 = arith.constant 224 : i32
    %dma_wait3A_329 = tpu.memref_slice %arg5[%dma_wait3A_328] : memref<512xi32, #tpu.memory_space<vmem>> -> memref<16xi32, #tpu.memory_space<vmem>>
    %dma_wait3A_330 = arith.constant 0 : i32
    %dma_wait3A_331 = arith.constant 0 : i32
    %dma_wait3A_332 = tpu.memref_slice %arg2[%dma_wait3A_330, %dma_wait3A_331] : memref<8192x1024xf32, #tpu.memory_space<hbm>> -> memref<8192x1024xf32, #tpu.memory_space<hbm>>
    tpu.wait_indirect_dma semaphore(%arg14 : memref<!tpu.dma_semaphore, #tpu.memory_space<semaphore_mem>>) src(%dma_wait3A_332 : memref<8192x1024xf32, #tpu.memory_space<hbm>>) dst(%arg8 : memref<16x1024xf32, #tpu.memory_space<vmem>>)
    %add3A_333 = arith.constant 224 : i32
    %add3A_334 = arith.addi %mul3A_2, %add3A_333 : i32
    %dma_start3A_335 = arith.constant 0 : i32
    %dma_start3A_336 = tpu.memref_slice %arg4[%add3A_334, %dma_start3A_335] : memref<16384x1024xf32, #tpu.memory_space<hbm>> -> memref<16x1024xf32, #tpu.memory_space<hbm>>
    %dma_start3A_337 = arith.constant 0 : i32
    %dma_start3A_338 = tpu.memref_slice %arg4[%add3A_334, %dma_start3A_337] : memref<16384x1024xf32, #tpu.memory_space<hbm>> -> memref<16x1024xf32, #tpu.memory_space<hbm>>
    tpu.enqueue_dma source(%arg8 : memref<16x1024xf32, #tpu.memory_space<vmem>>) target(%dma_start3A_338 : memref<16x1024xf32, #tpu.memory_space<hbm>>) target_semaphore(%arg20 : memref<!tpu.dma_semaphore, #tpu.memory_space<semaphore_mem>>)
    %add3A_339 = arith.constant 208 : i32
    %add3A_340 = arith.addi %mul3A_2, %add3A_339 : i32
    %dma_wait3A_341 = arith.constant 0 : i32
    %dma_wait3A_342 = tpu.memref_slice %arg4[%add3A_340, %dma_wait3A_341] : memref<16384x1024xf32, #tpu.memory_space<hbm>> -> memref<16x1024xf32, #tpu.memory_space<hbm>>
    %dma_wait3A_343 = arith.constant 0 : i32
    %dma_wait3A_344 = tpu.memref_slice %arg4[%add3A_340, %dma_wait3A_343] : memref<16384x1024xf32, #tpu.memory_space<hbm>> -> memref<16x1024xf32, #tpu.memory_space<hbm>>
    tpu.wait_dma2 semaphore(%arg19 : memref<!tpu.dma_semaphore, #tpu.memory_space<semaphore_mem>>) src(%arg7 : memref<16x1024xf32, #tpu.memory_space<vmem>>) dst(%dma_wait3A_344 : memref<16x1024xf32, #tpu.memory_space<hbm>>)
    %dma_start3A_345 = arith.constant 304 : i32
    %dma_start3A_346 = tpu.memref_slice %arg5[%dma_start3A_345] : memref<512xi32, #tpu.memory_space<vmem>> -> memref<16xi32, #tpu.memory_space<vmem>>
    %dma_start3A_347 = arith.constant 0 : i32
    %dma_start3A_348 = arith.constant 0 : i32
    %dma_start3A_349 = tpu.memref_slice %arg2[%dma_start3A_347, %dma_start3A_348] : memref<8192x1024xf32, #tpu.memory_space<hbm>> -> memref<8192x1024xf32, #tpu.memory_space<hbm>>
    tpu.enqueue_indirect_dma source(%dma_start3A_349 : memref<8192x1024xf32, #tpu.memory_space<hbm>>) target(%arg7 : memref<16x1024xf32, #tpu.memory_space<vmem>>) offsets(%dma_start3A_346 : memref<16xi32, #tpu.memory_space<vmem>>) semaphore(%arg13 : memref<!tpu.dma_semaphore, #tpu.memory_space<semaphore_mem>>)
    %dma_wait3A_350 = arith.constant 240 : i32
    %dma_wait3A_351 = tpu.memref_slice %arg5[%dma_wait3A_350] : memref<512xi32, #tpu.memory_space<vmem>> -> memref<16xi32, #tpu.memory_space<vmem>>
    %dma_wait3A_352 = arith.constant 0 : i32
    %dma_wait3A_353 = arith.constant 0 : i32
    %dma_wait3A_354 = tpu.memref_slice %arg2[%dma_wait3A_352, %dma_wait3A_353] : memref<8192x1024xf32, #tpu.memory_space<hbm>> -> memref<8192x1024xf32, #tpu.memory_space<hbm>>
    tpu.wait_indirect_dma semaphore(%arg15 : memref<!tpu.dma_semaphore, #tpu.memory_space<semaphore_mem>>) src(%dma_wait3A_354 : memref<8192x1024xf32, #tpu.memory_space<hbm>>) dst(%arg9 : memref<16x1024xf32, #tpu.memory_space<vmem>>)
    %add3A_355 = arith.constant 240 : i32
    %add3A_356 = arith.addi %mul3A_2, %add3A_355 : i32
    %dma_start3A_357 = arith.constant 0 : i32
    %dma_start3A_358 = tpu.memref_slice %arg4[%add3A_356, %dma_start3A_357] : memref<16384x1024xf32, #tpu.memory_space<hbm>> -> memref<16x1024xf32, #tpu.memory_space<hbm>>
    %dma_start3A_359 = arith.constant 0 : i32
    %dma_start3A_360 = tpu.memref_slice %arg4[%add3A_356, %dma_start3A_359] : memref<16384x1024xf32, #tpu.memory_space<hbm>> -> memref<16x1024xf32, #tpu.memory_space<hbm>>
    tpu.enqueue_dma source(%arg9 : memref<16x1024xf32, #tpu.memory_space<vmem>>) target(%dma_start3A_360 : memref<16x1024xf32, #tpu.memory_space<hbm>>) target_semaphore(%arg21 : memref<!tpu.dma_semaphore, #tpu.memory_space<semaphore_mem>>)
    %add3A_361 = arith.constant 224 : i32
    %add3A_362 = arith.addi %mul3A_2, %add3A_361 : i32
    %dma_wait3A_363 = arith.constant 0 : i32
    %dma_wait3A_364 = tpu.memref_slice %arg4[%add3A_362, %dma_wait3A_363] : memref<16384x1024xf32, #tpu.memory_space<hbm>> -> memref<16x1024xf32, #tpu.memory_space<hbm>>
    %dma_wait3A_365 = arith.constant 0 : i32
    %dma_wait3A_366 = tpu.memref_slice %arg4[%add3A_362, %dma_wait3A_365] : memref<16384x1024xf32, #tpu.memory_space<hbm>> -> memref<16x1024xf32, #tpu.memory_space<hbm>>
    tpu.wait_dma2 semaphore(%arg20 : memref<!tpu.dma_semaphore, #tpu.memory_space<semaphore_mem>>) src(%arg8 : memref<16x1024xf32, #tpu.memory_space<vmem>>) dst(%dma_wait3A_366 : memref<16x1024xf32, #tpu.memory_space<hbm>>)
    %dma_start3A_367 = arith.constant 320 : i32
    %dma_start3A_368 = tpu.memref_slice %arg5[%dma_start3A_367] : memref<512xi32, #tpu.memory_space<vmem>> -> memref<16xi32, #tpu.memory_space<vmem>>
    %dma_start3A_369 = arith.constant 0 : i32
    %dma_start3A_370 = arith.constant 0 : i32
    %dma_start3A_371 = tpu.memref_slice %arg2[%dma_start3A_369, %dma_start3A_370] : memref<8192x1024xf32, #tpu.memory_space<hbm>> -> memref<8192x1024xf32, #tpu.memory_space<hbm>>
    tpu.enqueue_indirect_dma source(%dma_start3A_371 : memref<8192x1024xf32, #tpu.memory_space<hbm>>) target(%arg8 : memref<16x1024xf32, #tpu.memory_space<vmem>>) offsets(%dma_start3A_368 : memref<16xi32, #tpu.memory_space<vmem>>) semaphore(%arg14 : memref<!tpu.dma_semaphore, #tpu.memory_space<semaphore_mem>>)
    %dma_wait3A_372 = arith.constant 256 : i32
    %dma_wait3A_373 = tpu.memref_slice %arg5[%dma_wait3A_372] : memref<512xi32, #tpu.memory_space<vmem>> -> memref<16xi32, #tpu.memory_space<vmem>>
    %dma_wait3A_374 = arith.constant 0 : i32
    %dma_wait3A_375 = arith.constant 0 : i32
    %dma_wait3A_376 = tpu.memref_slice %arg2[%dma_wait3A_374, %dma_wait3A_375] : memref<8192x1024xf32, #tpu.memory_space<hbm>> -> memref<8192x1024xf32, #tpu.memory_space<hbm>>
    tpu.wait_indirect_dma semaphore(%arg16 : memref<!tpu.dma_semaphore, #tpu.memory_space<semaphore_mem>>) src(%dma_wait3A_376 : memref<8192x1024xf32, #tpu.memory_space<hbm>>) dst(%arg10 : memref<16x1024xf32, #tpu.memory_space<vmem>>)
    %add3A_377 = arith.constant 256 : i32
    %add3A_378 = arith.addi %mul3A_2, %add3A_377 : i32
    %dma_start3A_379 = arith.constant 0 : i32
    %dma_start3A_380 = tpu.memref_slice %arg4[%add3A_378, %dma_start3A_379] : memref<16384x1024xf32, #tpu.memory_space<hbm>> -> memref<16x1024xf32, #tpu.memory_space<hbm>>
    %dma_start3A_381 = arith.constant 0 : i32
    %dma_start3A_382 = tpu.memref_slice %arg4[%add3A_378, %dma_start3A_381] : memref<16384x1024xf32, #tpu.memory_space<hbm>> -> memref<16x1024xf32, #tpu.memory_space<hbm>>
    tpu.enqueue_dma source(%arg10 : memref<16x1024xf32, #tpu.memory_space<vmem>>) target(%dma_start3A_382 : memref<16x1024xf32, #tpu.memory_space<hbm>>) target_semaphore(%arg22 : memref<!tpu.dma_semaphore, #tpu.memory_space<semaphore_mem>>)
    %add3A_383 = arith.constant 240 : i32
    %add3A_384 = arith.addi %mul3A_2, %add3A_383 : i32
    %dma_wait3A_385 = arith.constant 0 : i32
    %dma_wait3A_386 = tpu.memref_slice %arg4[%add3A_384, %dma_wait3A_385] : memref<16384x1024xf32, #tpu.memory_space<hbm>> -> memref<16x1024xf32, #tpu.memory_space<hbm>>
    %dma_wait3A_387 = arith.constant 0 : i32
    %dma_wait3A_388 = tpu.memref_slice %arg4[%add3A_384, %dma_wait3A_387] : memref<16384x1024xf32, #tpu.memory_space<hbm>> -> memref<16x1024xf32, #tpu.memory_space<hbm>>
    tpu.wait_dma2 semaphore(%arg21 : memref<!tpu.dma_semaphore, #tpu.memory_space<semaphore_mem>>) src(%arg9 : memref<16x1024xf32, #tpu.memory_space<vmem>>) dst(%dma_wait3A_388 : memref<16x1024xf32, #tpu.memory_space<hbm>>)
    %dma_start3A_389 = arith.constant 336 : i32
    %dma_start3A_390 = tpu.memref_slice %arg5[%dma_start3A_389] : memref<512xi32, #tpu.memory_space<vmem>> -> memref<16xi32, #tpu.memory_space<vmem>>
    %dma_start3A_391 = arith.constant 0 : i32
    %dma_start3A_392 = arith.constant 0 : i32
    %dma_start3A_393 = tpu.memref_slice %arg2[%dma_start3A_391, %dma_start3A_392] : memref<8192x1024xf32, #tpu.memory_space<hbm>> -> memref<8192x1024xf32, #tpu.memory_space<hbm>>
    tpu.enqueue_indirect_dma source(%dma_start3A_393 : memref<8192x1024xf32, #tpu.memory_space<hbm>>) target(%arg9 : memref<16x1024xf32, #tpu.memory_space<vmem>>) offsets(%dma_start3A_390 : memref<16xi32, #tpu.memory_space<vmem>>) semaphore(%arg15 : memref<!tpu.dma_semaphore, #tpu.memory_space<semaphore_mem>>)
    %dma_wait3A_394 = arith.constant 272 : i32
    %dma_wait3A_395 = tpu.memref_slice %arg5[%dma_wait3A_394] : memref<512xi32, #tpu.memory_space<vmem>> -> memref<16xi32, #tpu.memory_space<vmem>>
    %dma_wait3A_396 = arith.constant 0 : i32
    %dma_wait3A_397 = arith.constant 0 : i32
    %dma_wait3A_398 = tpu.memref_slice %arg2[%dma_wait3A_396, %dma_wait3A_397] : memref<8192x1024xf32, #tpu.memory_space<hbm>> -> memref<8192x1024xf32, #tpu.memory_space<hbm>>
    tpu.wait_indirect_dma semaphore(%arg17 : memref<!tpu.dma_semaphore, #tpu.memory_space<semaphore_mem>>) src(%dma_wait3A_398 : memref<8192x1024xf32, #tpu.memory_space<hbm>>) dst(%arg11 : memref<16x1024xf32, #tpu.memory_space<vmem>>)
    %add3A_399 = arith.constant 272 : i32
    %add3A_400 = arith.addi %mul3A_2, %add3A_399 : i32
    %dma_start3A_401 = arith.constant 0 : i32
    %dma_start3A_402 = tpu.memref_slice %arg4[%add3A_400, %dma_start3A_401] : memref<16384x1024xf32, #tpu.memory_space<hbm>> -> memref<16x1024xf32, #tpu.memory_space<hbm>>
    %dma_start3A_403 = arith.constant 0 : i32
    %dma_start3A_404 = tpu.memref_slice %arg4[%add3A_400, %dma_start3A_403] : memref<16384x1024xf32, #tpu.memory_space<hbm>> -> memref<16x1024xf32, #tpu.memory_space<hbm>>
    tpu.enqueue_dma source(%arg11 : memref<16x1024xf32, #tpu.memory_space<vmem>>) target(%dma_start3A_404 : memref<16x1024xf32, #tpu.memory_space<hbm>>) target_semaphore(%arg23 : memref<!tpu.dma_semaphore, #tpu.memory_space<semaphore_mem>>)
    %add3A_405 = arith.constant 256 : i32
    %add3A_406 = arith.addi %mul3A_2, %add3A_405 : i32
    %dma_wait3A_407 = arith.constant 0 : i32
    %dma_wait3A_408 = tpu.memref_slice %arg4[%add3A_406, %dma_wait3A_407] : memref<16384x1024xf32, #tpu.memory_space<hbm>> -> memref<16x1024xf32, #tpu.memory_space<hbm>>
    %dma_wait3A_409 = arith.constant 0 : i32
    %dma_wait3A_410 = tpu.memref_slice %arg4[%add3A_406, %dma_wait3A_409] : memref<16384x1024xf32, #tpu.memory_space<hbm>> -> memref<16x1024xf32, #tpu.memory_space<hbm>>
    tpu.wait_dma2 semaphore(%arg22 : memref<!tpu.dma_semaphore, #tpu.memory_space<semaphore_mem>>) src(%arg10 : memref<16x1024xf32, #tpu.memory_space<vmem>>) dst(%dma_wait3A_410 : memref<16x1024xf32, #tpu.memory_space<hbm>>)
    %dma_start3A_411 = arith.constant 352 : i32
    %dma_start3A_412 = tpu.memref_slice %arg5[%dma_start3A_411] : memref<512xi32, #tpu.memory_space<vmem>> -> memref<16xi32, #tpu.memory_space<vmem>>
    %dma_start3A_413 = arith.constant 0 : i32
    %dma_start3A_414 = arith.constant 0 : i32
    %dma_start3A_415 = tpu.memref_slice %arg2[%dma_start3A_413, %dma_start3A_414] : memref<8192x1024xf32, #tpu.memory_space<hbm>> -> memref<8192x1024xf32, #tpu.memory_space<hbm>>
    tpu.enqueue_indirect_dma source(%dma_start3A_415 : memref<8192x1024xf32, #tpu.memory_space<hbm>>) target(%arg10 : memref<16x1024xf32, #tpu.memory_space<vmem>>) offsets(%dma_start3A_412 : memref<16xi32, #tpu.memory_space<vmem>>) semaphore(%arg16 : memref<!tpu.dma_semaphore, #tpu.memory_space<semaphore_mem>>)
    %dma_wait3A_416 = arith.constant 288 : i32
    %dma_wait3A_417 = tpu.memref_slice %arg5[%dma_wait3A_416] : memref<512xi32, #tpu.memory_space<vmem>> -> memref<16xi32, #tpu.memory_space<vmem>>
    %dma_wait3A_418 = arith.constant 0 : i32
    %dma_wait3A_419 = arith.constant 0 : i32
    %dma_wait3A_420 = tpu.memref_slice %arg2[%dma_wait3A_418, %dma_wait3A_419] : memref<8192x1024xf32, #tpu.memory_space<hbm>> -> memref<8192x1024xf32, #tpu.memory_space<hbm>>
    tpu.wait_indirect_dma semaphore(%arg12 : memref<!tpu.dma_semaphore, #tpu.memory_space<semaphore_mem>>) src(%dma_wait3A_420 : memref<8192x1024xf32, #tpu.memory_space<hbm>>) dst(%arg6 : memref<16x1024xf32, #tpu.memory_space<vmem>>)
    %add3A_421 = arith.constant 288 : i32
    %add3A_422 = arith.addi %mul3A_2, %add3A_421 : i32
    %dma_start3A_423 = arith.constant 0 : i32
    %dma_start3A_424 = tpu.memref_slice %arg4[%add3A_422, %dma_start3A_423] : memref<16384x1024xf32, #tpu.memory_space<hbm>> -> memref<16x1024xf32, #tpu.memory_space<hbm>>
    %dma_start3A_425 = arith.constant 0 : i32
    %dma_start3A_426 = tpu.memref_slice %arg4[%add3A_422, %dma_start3A_425] : memref<16384x1024xf32, #tpu.memory_space<hbm>> -> memref<16x1024xf32, #tpu.memory_space<hbm>>
    tpu.enqueue_dma source(%arg6 : memref<16x1024xf32, #tpu.memory_space<vmem>>) target(%dma_start3A_426 : memref<16x1024xf32, #tpu.memory_space<hbm>>) target_semaphore(%arg18 : memref<!tpu.dma_semaphore, #tpu.memory_space<semaphore_mem>>)
    %add3A_427 = arith.constant 272 : i32
    %add3A_428 = arith.addi %mul3A_2, %add3A_427 : i32
    %dma_wait3A_429 = arith.constant 0 : i32
    %dma_wait3A_430 = tpu.memref_slice %arg4[%add3A_428, %dma_wait3A_429] : memref<16384x1024xf32, #tpu.memory_space<hbm>> -> memref<16x1024xf32, #tpu.memory_space<hbm>>
    %dma_wait3A_431 = arith.constant 0 : i32
    %dma_wait3A_432 = tpu.memref_slice %arg4[%add3A_428, %dma_wait3A_431] : memref<16384x1024xf32, #tpu.memory_space<hbm>> -> memref<16x1024xf32, #tpu.memory_space<hbm>>
    tpu.wait_dma2 semaphore(%arg23 : memref<!tpu.dma_semaphore, #tpu.memory_space<semaphore_mem>>) src(%arg11 : memref<16x1024xf32, #tpu.memory_space<vmem>>) dst(%dma_wait3A_432 : memref<16x1024xf32, #tpu.memory_space<hbm>>)
    %dma_start3A_433 = arith.constant 368 : i32
    %dma_start3A_434 = tpu.memref_slice %arg5[%dma_start3A_433] : memref<512xi32, #tpu.memory_space<vmem>> -> memref<16xi32, #tpu.memory_space<vmem>>
    %dma_start3A_435 = arith.constant 0 : i32
    %dma_start3A_436 = arith.constant 0 : i32
    %dma_start3A_437 = tpu.memref_slice %arg2[%dma_start3A_435, %dma_start3A_436] : memref<8192x1024xf32, #tpu.memory_space<hbm>> -> memref<8192x1024xf32, #tpu.memory_space<hbm>>
    tpu.enqueue_indirect_dma source(%dma_start3A_437 : memref<8192x1024xf32, #tpu.memory_space<hbm>>) target(%arg11 : memref<16x1024xf32, #tpu.memory_space<vmem>>) offsets(%dma_start3A_434 : memref<16xi32, #tpu.memory_space<vmem>>) semaphore(%arg17 : memref<!tpu.dma_semaphore, #tpu.memory_space<semaphore_mem>>)
    %dma_wait3A_438 = arith.constant 304 : i32
    %dma_wait3A_439 = tpu.memref_slice %arg5[%dma_wait3A_438] : memref<512xi32, #tpu.memory_space<vmem>> -> memref<16xi32, #tpu.memory_space<vmem>>
    %dma_wait3A_440 = arith.constant 0 : i32
    %dma_wait3A_441 = arith.constant 0 : i32
    %dma_wait3A_442 = tpu.memref_slice %arg2[%dma_wait3A_440, %dma_wait3A_441] : memref<8192x1024xf32, #tpu.memory_space<hbm>> -> memref<8192x1024xf32, #tpu.memory_space<hbm>>
    tpu.wait_indirect_dma semaphore(%arg13 : memref<!tpu.dma_semaphore, #tpu.memory_space<semaphore_mem>>) src(%dma_wait3A_442 : memref<8192x1024xf32, #tpu.memory_space<hbm>>) dst(%arg7 : memref<16x1024xf32, #tpu.memory_space<vmem>>)
    %add3A_443 = arith.constant 304 : i32
    %add3A_444 = arith.addi %mul3A_2, %add3A_443 : i32
    %dma_start3A_445 = arith.constant 0 : i32
    %dma_start3A_446 = tpu.memref_slice %arg4[%add3A_444, %dma_start3A_445] : memref<16384x1024xf32, #tpu.memory_space<hbm>> -> memref<16x1024xf32, #tpu.memory_space<hbm>>
    %dma_start3A_447 = arith.constant 0 : i32
    %dma_start3A_448 = tpu.memref_slice %arg4[%add3A_444, %dma_start3A_447] : memref<16384x1024xf32, #tpu.memory_space<hbm>> -> memref<16x1024xf32, #tpu.memory_space<hbm>>
    tpu.enqueue_dma source(%arg7 : memref<16x1024xf32, #tpu.memory_space<vmem>>) target(%dma_start3A_448 : memref<16x1024xf32, #tpu.memory_space<hbm>>) target_semaphore(%arg19 : memref<!tpu.dma_semaphore, #tpu.memory_space<semaphore_mem>>)
    %add3A_449 = arith.constant 288 : i32
    %add3A_450 = arith.addi %mul3A_2, %add3A_449 : i32
    %dma_wait3A_451 = arith.constant 0 : i32
    %dma_wait3A_452 = tpu.memref_slice %arg4[%add3A_450, %dma_wait3A_451] : memref<16384x1024xf32, #tpu.memory_space<hbm>> -> memref<16x1024xf32, #tpu.memory_space<hbm>>
    %dma_wait3A_453 = arith.constant 0 : i32
    %dma_wait3A_454 = tpu.memref_slice %arg4[%add3A_450, %dma_wait3A_453] : memref<16384x1024xf32, #tpu.memory_space<hbm>> -> memref<16x1024xf32, #tpu.memory_space<hbm>>
    tpu.wait_dma2 semaphore(%arg18 : memref<!tpu.dma_semaphore, #tpu.memory_space<semaphore_mem>>) src(%arg6 : memref<16x1024xf32, #tpu.memory_space<vmem>>) dst(%dma_wait3A_454 : memref<16x1024xf32, #tpu.memory_space<hbm>>)
    %dma_start3A_455 = arith.constant 384 : i32
    %dma_start3A_456 = tpu.memref_slice %arg5[%dma_start3A_455] : memref<512xi32, #tpu.memory_space<vmem>> -> memref<16xi32, #tpu.memory_space<vmem>>
    %dma_start3A_457 = arith.constant 0 : i32
    %dma_start3A_458 = arith.constant 0 : i32
    %dma_start3A_459 = tpu.memref_slice %arg2[%dma_start3A_457, %dma_start3A_458] : memref<8192x1024xf32, #tpu.memory_space<hbm>> -> memref<8192x1024xf32, #tpu.memory_space<hbm>>
    tpu.enqueue_indirect_dma source(%dma_start3A_459 : memref<8192x1024xf32, #tpu.memory_space<hbm>>) target(%arg6 : memref<16x1024xf32, #tpu.memory_space<vmem>>) offsets(%dma_start3A_456 : memref<16xi32, #tpu.memory_space<vmem>>) semaphore(%arg12 : memref<!tpu.dma_semaphore, #tpu.memory_space<semaphore_mem>>)
    %dma_wait3A_460 = arith.constant 320 : i32
    %dma_wait3A_461 = tpu.memref_slice %arg5[%dma_wait3A_460] : memref<512xi32, #tpu.memory_space<vmem>> -> memref<16xi32, #tpu.memory_space<vmem>>
    %dma_wait3A_462 = arith.constant 0 : i32
    %dma_wait3A_463 = arith.constant 0 : i32
    %dma_wait3A_464 = tpu.memref_slice %arg2[%dma_wait3A_462, %dma_wait3A_463] : memref<8192x1024xf32, #tpu.memory_space<hbm>> -> memref<8192x1024xf32, #tpu.memory_space<hbm>>
    tpu.wait_indirect_dma semaphore(%arg14 : memref<!tpu.dma_semaphore, #tpu.memory_space<semaphore_mem>>) src(%dma_wait3A_464 : memref<8192x1024xf32, #tpu.memory_space<hbm>>) dst(%arg8 : memref<16x1024xf32, #tpu.memory_space<vmem>>)
    %add3A_465 = arith.constant 320 : i32
    %add3A_466 = arith.addi %mul3A_2, %add3A_465 : i32
    %dma_start3A_467 = arith.constant 0 : i32
    %dma_start3A_468 = tpu.memref_slice %arg4[%add3A_466, %dma_start3A_467] : memref<16384x1024xf32, #tpu.memory_space<hbm>> -> memref<16x1024xf32, #tpu.memory_space<hbm>>
    %dma_start3A_469 = arith.constant 0 : i32
    %dma_start3A_470 = tpu.memref_slice %arg4[%add3A_466, %dma_start3A_469] : memref<16384x1024xf32, #tpu.memory_space<hbm>> -> memref<16x1024xf32, #tpu.memory_space<hbm>>
    tpu.enqueue_dma source(%arg8 : memref<16x1024xf32, #tpu.memory_space<vmem>>) target(%dma_start3A_470 : memref<16x1024xf32, #tpu.memory_space<hbm>>) target_semaphore(%arg20 : memref<!tpu.dma_semaphore, #tpu.memory_space<semaphore_mem>>)
    %add3A_471 = arith.constant 304 : i32
    %add3A_472 = arith.addi %mul3A_2, %add3A_471 : i32
    %dma_wait3A_473 = arith.constant 0 : i32
    %dma_wait3A_474 = tpu.memref_slice %arg4[%add3A_472, %dma_wait3A_473] : memref<16384x1024xf32, #tpu.memory_space<hbm>> -> memref<16x1024xf32, #tpu.memory_space<hbm>>
    %dma_wait3A_475 = arith.constant 0 : i32
    %dma_wait3A_476 = tpu.memref_slice %arg4[%add3A_472, %dma_wait3A_475] : memref<16384x1024xf32, #tpu.memory_space<hbm>> -> memref<16x1024xf32, #tpu.memory_space<hbm>>
    tpu.wait_dma2 semaphore(%arg19 : memref<!tpu.dma_semaphore, #tpu.memory_space<semaphore_mem>>) src(%arg7 : memref<16x1024xf32, #tpu.memory_space<vmem>>) dst(%dma_wait3A_476 : memref<16x1024xf32, #tpu.memory_space<hbm>>)
    %dma_start3A_477 = arith.constant 400 : i32
    %dma_start3A_478 = tpu.memref_slice %arg5[%dma_start3A_477] : memref<512xi32, #tpu.memory_space<vmem>> -> memref<16xi32, #tpu.memory_space<vmem>>
    %dma_start3A_479 = arith.constant 0 : i32
    %dma_start3A_480 = arith.constant 0 : i32
    %dma_start3A_481 = tpu.memref_slice %arg2[%dma_start3A_479, %dma_start3A_480] : memref<8192x1024xf32, #tpu.memory_space<hbm>> -> memref<8192x1024xf32, #tpu.memory_space<hbm>>
    tpu.enqueue_indirect_dma source(%dma_start3A_481 : memref<8192x1024xf32, #tpu.memory_space<hbm>>) target(%arg7 : memref<16x1024xf32, #tpu.memory_space<vmem>>) offsets(%dma_start3A_478 : memref<16xi32, #tpu.memory_space<vmem>>) semaphore(%arg13 : memref<!tpu.dma_semaphore, #tpu.memory_space<semaphore_mem>>)
    %dma_wait3A_482 = arith.constant 336 : i32
    %dma_wait3A_483 = tpu.memref_slice %arg5[%dma_wait3A_482] : memref<512xi32, #tpu.memory_space<vmem>> -> memref<16xi32, #tpu.memory_space<vmem>>
    %dma_wait3A_484 = arith.constant 0 : i32
    %dma_wait3A_485 = arith.constant 0 : i32
    %dma_wait3A_486 = tpu.memref_slice %arg2[%dma_wait3A_484, %dma_wait3A_485] : memref<8192x1024xf32, #tpu.memory_space<hbm>> -> memref<8192x1024xf32, #tpu.memory_space<hbm>>
    tpu.wait_indirect_dma semaphore(%arg15 : memref<!tpu.dma_semaphore, #tpu.memory_space<semaphore_mem>>) src(%dma_wait3A_486 : memref<8192x1024xf32, #tpu.memory_space<hbm>>) dst(%arg9 : memref<16x1024xf32, #tpu.memory_space<vmem>>)
    %add3A_487 = arith.constant 336 : i32
    %add3A_488 = arith.addi %mul3A_2, %add3A_487 : i32
    %dma_start3A_489 = arith.constant 0 : i32
    %dma_start3A_490 = tpu.memref_slice %arg4[%add3A_488, %dma_start3A_489] : memref<16384x1024xf32, #tpu.memory_space<hbm>> -> memref<16x1024xf32, #tpu.memory_space<hbm>>
    %dma_start3A_491 = arith.constant 0 : i32
    %dma_start3A_492 = tpu.memref_slice %arg4[%add3A_488, %dma_start3A_491] : memref<16384x1024xf32, #tpu.memory_space<hbm>> -> memref<16x1024xf32, #tpu.memory_space<hbm>>
    tpu.enqueue_dma source(%arg9 : memref<16x1024xf32, #tpu.memory_space<vmem>>) target(%dma_start3A_492 : memref<16x1024xf32, #tpu.memory_space<hbm>>) target_semaphore(%arg21 : memref<!tpu.dma_semaphore, #tpu.memory_space<semaphore_mem>>)
    %add3A_493 = arith.constant 320 : i32
    %add3A_494 = arith.addi %mul3A_2, %add3A_493 : i32
    %dma_wait3A_495 = arith.constant 0 : i32
    %dma_wait3A_496 = tpu.memref_slice %arg4[%add3A_494, %dma_wait3A_495] : memref<16384x1024xf32, #tpu.memory_space<hbm>> -> memref<16x1024xf32, #tpu.memory_space<hbm>>
    %dma_wait3A_497 = arith.constant 0 : i32
    %dma_wait3A_498 = tpu.memref_slice %arg4[%add3A_494, %dma_wait3A_497] : memref<16384x1024xf32, #tpu.memory_space<hbm>> -> memref<16x1024xf32, #tpu.memory_space<hbm>>
    tpu.wait_dma2 semaphore(%arg20 : memref<!tpu.dma_semaphore, #tpu.memory_space<semaphore_mem>>) src(%arg8 : memref<16x1024xf32, #tpu.memory_space<vmem>>) dst(%dma_wait3A_498 : memref<16x1024xf32, #tpu.memory_space<hbm>>)
    %dma_start3A_499 = arith.constant 416 : i32
    %dma_start3A_500 = tpu.memref_slice %arg5[%dma_start3A_499] : memref<512xi32, #tpu.memory_space<vmem>> -> memref<16xi32, #tpu.memory_space<vmem>>
    %dma_start3A_501 = arith.constant 0 : i32
    %dma_start3A_502 = arith.constant 0 : i32
    %dma_start3A_503 = tpu.memref_slice %arg2[%dma_start3A_501, %dma_start3A_502] : memref<8192x1024xf32, #tpu.memory_space<hbm>> -> memref<8192x1024xf32, #tpu.memory_space<hbm>>
    tpu.enqueue_indirect_dma source(%dma_start3A_503 : memref<8192x1024xf32, #tpu.memory_space<hbm>>) target(%arg8 : memref<16x1024xf32, #tpu.memory_space<vmem>>) offsets(%dma_start3A_500 : memref<16xi32, #tpu.memory_space<vmem>>) semaphore(%arg14 : memref<!tpu.dma_semaphore, #tpu.memory_space<semaphore_mem>>)
    %dma_wait3A_504 = arith.constant 352 : i32
    %dma_wait3A_505 = tpu.memref_slice %arg5[%dma_wait3A_504] : memref<512xi32, #tpu.memory_space<vmem>> -> memref<16xi32, #tpu.memory_space<vmem>>
    %dma_wait3A_506 = arith.constant 0 : i32
    %dma_wait3A_507 = arith.constant 0 : i32
    %dma_wait3A_508 = tpu.memref_slice %arg2[%dma_wait3A_506, %dma_wait3A_507] : memref<8192x1024xf32, #tpu.memory_space<hbm>> -> memref<8192x1024xf32, #tpu.memory_space<hbm>>
    tpu.wait_indirect_dma semaphore(%arg16 : memref<!tpu.dma_semaphore, #tpu.memory_space<semaphore_mem>>) src(%dma_wait3A_508 : memref<8192x1024xf32, #tpu.memory_space<hbm>>) dst(%arg10 : memref<16x1024xf32, #tpu.memory_space<vmem>>)
    %add3A_509 = arith.constant 352 : i32
    %add3A_510 = arith.addi %mul3A_2, %add3A_509 : i32
    %dma_start3A_511 = arith.constant 0 : i32
    %dma_start3A_512 = tpu.memref_slice %arg4[%add3A_510, %dma_start3A_511] : memref<16384x1024xf32, #tpu.memory_space<hbm>> -> memref<16x1024xf32, #tpu.memory_space<hbm>>
    %dma_start3A_513 = arith.constant 0 : i32
    %dma_start3A_514 = tpu.memref_slice %arg4[%add3A_510, %dma_start3A_513] : memref<16384x1024xf32, #tpu.memory_space<hbm>> -> memref<16x1024xf32, #tpu.memory_space<hbm>>
    tpu.enqueue_dma source(%arg10 : memref<16x1024xf32, #tpu.memory_space<vmem>>) target(%dma_start3A_514 : memref<16x1024xf32, #tpu.memory_space<hbm>>) target_semaphore(%arg22 : memref<!tpu.dma_semaphore, #tpu.memory_space<semaphore_mem>>)
    %add3A_515 = arith.constant 336 : i32
    %add3A_516 = arith.addi %mul3A_2, %add3A_515 : i32
    %dma_wait3A_517 = arith.constant 0 : i32
    %dma_wait3A_518 = tpu.memref_slice %arg4[%add3A_516, %dma_wait3A_517] : memref<16384x1024xf32, #tpu.memory_space<hbm>> -> memref<16x1024xf32, #tpu.memory_space<hbm>>
    %dma_wait3A_519 = arith.constant 0 : i32
    %dma_wait3A_520 = tpu.memref_slice %arg4[%add3A_516, %dma_wait3A_519] : memref<16384x1024xf32, #tpu.memory_space<hbm>> -> memref<16x1024xf32, #tpu.memory_space<hbm>>
    tpu.wait_dma2 semaphore(%arg21 : memref<!tpu.dma_semaphore, #tpu.memory_space<semaphore_mem>>) src(%arg9 : memref<16x1024xf32, #tpu.memory_space<vmem>>) dst(%dma_wait3A_520 : memref<16x1024xf32, #tpu.memory_space<hbm>>)
    %dma_start3A_521 = arith.constant 432 : i32
    %dma_start3A_522 = tpu.memref_slice %arg5[%dma_start3A_521] : memref<512xi32, #tpu.memory_space<vmem>> -> memref<16xi32, #tpu.memory_space<vmem>>
    %dma_start3A_523 = arith.constant 0 : i32
    %dma_start3A_524 = arith.constant 0 : i32
    %dma_start3A_525 = tpu.memref_slice %arg2[%dma_start3A_523, %dma_start3A_524] : memref<8192x1024xf32, #tpu.memory_space<hbm>> -> memref<8192x1024xf32, #tpu.memory_space<hbm>>
    tpu.enqueue_indirect_dma source(%dma_start3A_525 : memref<8192x1024xf32, #tpu.memory_space<hbm>>) target(%arg9 : memref<16x1024xf32, #tpu.memory_space<vmem>>) offsets(%dma_start3A_522 : memref<16xi32, #tpu.memory_space<vmem>>) semaphore(%arg15 : memref<!tpu.dma_semaphore, #tpu.memory_space<semaphore_mem>>)
    %dma_wait3A_526 = arith.constant 368 : i32
    %dma_wait3A_527 = tpu.memref_slice %arg5[%dma_wait3A_526] : memref<512xi32, #tpu.memory_space<vmem>> -> memref<16xi32, #tpu.memory_space<vmem>>
    %dma_wait3A_528 = arith.constant 0 : i32
    %dma_wait3A_529 = arith.constant 0 : i32
    %dma_wait3A_530 = tpu.memref_slice %arg2[%dma_wait3A_528, %dma_wait3A_529] : memref<8192x1024xf32, #tpu.memory_space<hbm>> -> memref<8192x1024xf32, #tpu.memory_space<hbm>>
    tpu.wait_indirect_dma semaphore(%arg17 : memref<!tpu.dma_semaphore, #tpu.memory_space<semaphore_mem>>) src(%dma_wait3A_530 : memref<8192x1024xf32, #tpu.memory_space<hbm>>) dst(%arg11 : memref<16x1024xf32, #tpu.memory_space<vmem>>)
    %add3A_531 = arith.constant 368 : i32
    %add3A_532 = arith.addi %mul3A_2, %add3A_531 : i32
    %dma_start3A_533 = arith.constant 0 : i32
    %dma_start3A_534 = tpu.memref_slice %arg4[%add3A_532, %dma_start3A_533] : memref<16384x1024xf32, #tpu.memory_space<hbm>> -> memref<16x1024xf32, #tpu.memory_space<hbm>>
    %dma_start3A_535 = arith.constant 0 : i32
    %dma_start3A_536 = tpu.memref_slice %arg4[%add3A_532, %dma_start3A_535] : memref<16384x1024xf32, #tpu.memory_space<hbm>> -> memref<16x1024xf32, #tpu.memory_space<hbm>>
    tpu.enqueue_dma source(%arg11 : memref<16x1024xf32, #tpu.memory_space<vmem>>) target(%dma_start3A_536 : memref<16x1024xf32, #tpu.memory_space<hbm>>) target_semaphore(%arg23 : memref<!tpu.dma_semaphore, #tpu.memory_space<semaphore_mem>>)
    %add3A_537 = arith.constant 352 : i32
    %add3A_538 = arith.addi %mul3A_2, %add3A_537 : i32
    %dma_wait3A_539 = arith.constant 0 : i32
    %dma_wait3A_540 = tpu.memref_slice %arg4[%add3A_538, %dma_wait3A_539] : memref<16384x1024xf32, #tpu.memory_space<hbm>> -> memref<16x1024xf32, #tpu.memory_space<hbm>>
    %dma_wait3A_541 = arith.constant 0 : i32
    %dma_wait3A_542 = tpu.memref_slice %arg4[%add3A_538, %dma_wait3A_541] : memref<16384x1024xf32, #tpu.memory_space<hbm>> -> memref<16x1024xf32, #tpu.memory_space<hbm>>
    tpu.wait_dma2 semaphore(%arg22 : memref<!tpu.dma_semaphore, #tpu.memory_space<semaphore_mem>>) src(%arg10 : memref<16x1024xf32, #tpu.memory_space<vmem>>) dst(%dma_wait3A_542 : memref<16x1024xf32, #tpu.memory_space<hbm>>)
    %dma_start3A_543 = arith.constant 448 : i32
    %dma_start3A_544 = tpu.memref_slice %arg5[%dma_start3A_543] : memref<512xi32, #tpu.memory_space<vmem>> -> memref<16xi32, #tpu.memory_space<vmem>>
    %dma_start3A_545 = arith.constant 0 : i32
    %dma_start3A_546 = arith.constant 0 : i32
    %dma_start3A_547 = tpu.memref_slice %arg2[%dma_start3A_545, %dma_start3A_546] : memref<8192x1024xf32, #tpu.memory_space<hbm>> -> memref<8192x1024xf32, #tpu.memory_space<hbm>>
    tpu.enqueue_indirect_dma source(%dma_start3A_547 : memref<8192x1024xf32, #tpu.memory_space<hbm>>) target(%arg10 : memref<16x1024xf32, #tpu.memory_space<vmem>>) offsets(%dma_start3A_544 : memref<16xi32, #tpu.memory_space<vmem>>) semaphore(%arg16 : memref<!tpu.dma_semaphore, #tpu.memory_space<semaphore_mem>>)
    %dma_wait3A_548 = arith.constant 384 : i32
    %dma_wait3A_549 = tpu.memref_slice %arg5[%dma_wait3A_548] : memref<512xi32, #tpu.memory_space<vmem>> -> memref<16xi32, #tpu.memory_space<vmem>>
    %dma_wait3A_550 = arith.constant 0 : i32
    %dma_wait3A_551 = arith.constant 0 : i32
    %dma_wait3A_552 = tpu.memref_slice %arg2[%dma_wait3A_550, %dma_wait3A_551] : memref<8192x1024xf32, #tpu.memory_space<hbm>> -> memref<8192x1024xf32, #tpu.memory_space<hbm>>
    tpu.wait_indirect_dma semaphore(%arg12 : memref<!tpu.dma_semaphore, #tpu.memory_space<semaphore_mem>>) src(%dma_wait3A_552 : memref<8192x1024xf32, #tpu.memory_space<hbm>>) dst(%arg6 : memref<16x1024xf32, #tpu.memory_space<vmem>>)
    %add3A_553 = arith.constant 384 : i32
    %add3A_554 = arith.addi %mul3A_2, %add3A_553 : i32
    %dma_start3A_555 = arith.constant 0 : i32
    %dma_start3A_556 = tpu.memref_slice %arg4[%add3A_554, %dma_start3A_555] : memref<16384x1024xf32, #tpu.memory_space<hbm>> -> memref<16x1024xf32, #tpu.memory_space<hbm>>
    %dma_start3A_557 = arith.constant 0 : i32
    %dma_start3A_558 = tpu.memref_slice %arg4[%add3A_554, %dma_start3A_557] : memref<16384x1024xf32, #tpu.memory_space<hbm>> -> memref<16x1024xf32, #tpu.memory_space<hbm>>
    tpu.enqueue_dma source(%arg6 : memref<16x1024xf32, #tpu.memory_space<vmem>>) target(%dma_start3A_558 : memref<16x1024xf32, #tpu.memory_space<hbm>>) target_semaphore(%arg18 : memref<!tpu.dma_semaphore, #tpu.memory_space<semaphore_mem>>)
    %add3A_559 = arith.constant 368 : i32
    %add3A_560 = arith.addi %mul3A_2, %add3A_559 : i32
    %dma_wait3A_561 = arith.constant 0 : i32
    %dma_wait3A_562 = tpu.memref_slice %arg4[%add3A_560, %dma_wait3A_561] : memref<16384x1024xf32, #tpu.memory_space<hbm>> -> memref<16x1024xf32, #tpu.memory_space<hbm>>
    %dma_wait3A_563 = arith.constant 0 : i32
    %dma_wait3A_564 = tpu.memref_slice %arg4[%add3A_560, %dma_wait3A_563] : memref<16384x1024xf32, #tpu.memory_space<hbm>> -> memref<16x1024xf32, #tpu.memory_space<hbm>>
    tpu.wait_dma2 semaphore(%arg23 : memref<!tpu.dma_semaphore, #tpu.memory_space<semaphore_mem>>) src(%arg11 : memref<16x1024xf32, #tpu.memory_space<vmem>>) dst(%dma_wait3A_564 : memref<16x1024xf32, #tpu.memory_space<hbm>>)
    %dma_start3A_565 = arith.constant 464 : i32
    %dma_start3A_566 = tpu.memref_slice %arg5[%dma_start3A_565] : memref<512xi32, #tpu.memory_space<vmem>> -> memref<16xi32, #tpu.memory_space<vmem>>
    %dma_start3A_567 = arith.constant 0 : i32
    %dma_start3A_568 = arith.constant 0 : i32
    %dma_start3A_569 = tpu.memref_slice %arg2[%dma_start3A_567, %dma_start3A_568] : memref<8192x1024xf32, #tpu.memory_space<hbm>> -> memref<8192x1024xf32, #tpu.memory_space<hbm>>
    tpu.enqueue_indirect_dma source(%dma_start3A_569 : memref<8192x1024xf32, #tpu.memory_space<hbm>>) target(%arg11 : memref<16x1024xf32, #tpu.memory_space<vmem>>) offsets(%dma_start3A_566 : memref<16xi32, #tpu.memory_space<vmem>>) semaphore(%arg17 : memref<!tpu.dma_semaphore, #tpu.memory_space<semaphore_mem>>)
    %dma_wait3A_570 = arith.constant 400 : i32
    %dma_wait3A_571 = tpu.memref_slice %arg5[%dma_wait3A_570] : memref<512xi32, #tpu.memory_space<vmem>> -> memref<16xi32, #tpu.memory_space<vmem>>
    %dma_wait3A_572 = arith.constant 0 : i32
    %dma_wait3A_573 = arith.constant 0 : i32
    %dma_wait3A_574 = tpu.memref_slice %arg2[%dma_wait3A_572, %dma_wait3A_573] : memref<8192x1024xf32, #tpu.memory_space<hbm>> -> memref<8192x1024xf32, #tpu.memory_space<hbm>>
    tpu.wait_indirect_dma semaphore(%arg13 : memref<!tpu.dma_semaphore, #tpu.memory_space<semaphore_mem>>) src(%dma_wait3A_574 : memref<8192x1024xf32, #tpu.memory_space<hbm>>) dst(%arg7 : memref<16x1024xf32, #tpu.memory_space<vmem>>)
    %add3A_575 = arith.constant 400 : i32
    %add3A_576 = arith.addi %mul3A_2, %add3A_575 : i32
    %dma_start3A_577 = arith.constant 0 : i32
    %dma_start3A_578 = tpu.memref_slice %arg4[%add3A_576, %dma_start3A_577] : memref<16384x1024xf32, #tpu.memory_space<hbm>> -> memref<16x1024xf32, #tpu.memory_space<hbm>>
    %dma_start3A_579 = arith.constant 0 : i32
    %dma_start3A_580 = tpu.memref_slice %arg4[%add3A_576, %dma_start3A_579] : memref<16384x1024xf32, #tpu.memory_space<hbm>> -> memref<16x1024xf32, #tpu.memory_space<hbm>>
    tpu.enqueue_dma source(%arg7 : memref<16x1024xf32, #tpu.memory_space<vmem>>) target(%dma_start3A_580 : memref<16x1024xf32, #tpu.memory_space<hbm>>) target_semaphore(%arg19 : memref<!tpu.dma_semaphore, #tpu.memory_space<semaphore_mem>>)
    %add3A_581 = arith.constant 384 : i32
    %add3A_582 = arith.addi %mul3A_2, %add3A_581 : i32
    %dma_wait3A_583 = arith.constant 0 : i32
    %dma_wait3A_584 = tpu.memref_slice %arg4[%add3A_582, %dma_wait3A_583] : memref<16384x1024xf32, #tpu.memory_space<hbm>> -> memref<16x1024xf32, #tpu.memory_space<hbm>>
    %dma_wait3A_585 = arith.constant 0 : i32
    %dma_wait3A_586 = tpu.memref_slice %arg4[%add3A_582, %dma_wait3A_585] : memref<16384x1024xf32, #tpu.memory_space<hbm>> -> memref<16x1024xf32, #tpu.memory_space<hbm>>
    tpu.wait_dma2 semaphore(%arg18 : memref<!tpu.dma_semaphore, #tpu.memory_space<semaphore_mem>>) src(%arg6 : memref<16x1024xf32, #tpu.memory_space<vmem>>) dst(%dma_wait3A_586 : memref<16x1024xf32, #tpu.memory_space<hbm>>)
    %dma_start3A_587 = arith.constant 480 : i32
    %dma_start3A_588 = tpu.memref_slice %arg5[%dma_start3A_587] : memref<512xi32, #tpu.memory_space<vmem>> -> memref<16xi32, #tpu.memory_space<vmem>>
    %dma_start3A_589 = arith.constant 0 : i32
    %dma_start3A_590 = arith.constant 0 : i32
    %dma_start3A_591 = tpu.memref_slice %arg2[%dma_start3A_589, %dma_start3A_590] : memref<8192x1024xf32, #tpu.memory_space<hbm>> -> memref<8192x1024xf32, #tpu.memory_space<hbm>>
    tpu.enqueue_indirect_dma source(%dma_start3A_591 : memref<8192x1024xf32, #tpu.memory_space<hbm>>) target(%arg6 : memref<16x1024xf32, #tpu.memory_space<vmem>>) offsets(%dma_start3A_588 : memref<16xi32, #tpu.memory_space<vmem>>) semaphore(%arg12 : memref<!tpu.dma_semaphore, #tpu.memory_space<semaphore_mem>>)
    %dma_wait3A_592 = arith.constant 416 : i32
    %dma_wait3A_593 = tpu.memref_slice %arg5[%dma_wait3A_592] : memref<512xi32, #tpu.memory_space<vmem>> -> memref<16xi32, #tpu.memory_space<vmem>>
    %dma_wait3A_594 = arith.constant 0 : i32
    %dma_wait3A_595 = arith.constant 0 : i32
    %dma_wait3A_596 = tpu.memref_slice %arg2[%dma_wait3A_594, %dma_wait3A_595] : memref<8192x1024xf32, #tpu.memory_space<hbm>> -> memref<8192x1024xf32, #tpu.memory_space<hbm>>
    tpu.wait_indirect_dma semaphore(%arg14 : memref<!tpu.dma_semaphore, #tpu.memory_space<semaphore_mem>>) src(%dma_wait3A_596 : memref<8192x1024xf32, #tpu.memory_space<hbm>>) dst(%arg8 : memref<16x1024xf32, #tpu.memory_space<vmem>>)
    %add3A_597 = arith.constant 416 : i32
    %add3A_598 = arith.addi %mul3A_2, %add3A_597 : i32
    %dma_start3A_599 = arith.constant 0 : i32
    %dma_start3A_600 = tpu.memref_slice %arg4[%add3A_598, %dma_start3A_599] : memref<16384x1024xf32, #tpu.memory_space<hbm>> -> memref<16x1024xf32, #tpu.memory_space<hbm>>
    %dma_start3A_601 = arith.constant 0 : i32
    %dma_start3A_602 = tpu.memref_slice %arg4[%add3A_598, %dma_start3A_601] : memref<16384x1024xf32, #tpu.memory_space<hbm>> -> memref<16x1024xf32, #tpu.memory_space<hbm>>
    tpu.enqueue_dma source(%arg8 : memref<16x1024xf32, #tpu.memory_space<vmem>>) target(%dma_start3A_602 : memref<16x1024xf32, #tpu.memory_space<hbm>>) target_semaphore(%arg20 : memref<!tpu.dma_semaphore, #tpu.memory_space<semaphore_mem>>)
    %add3A_603 = arith.constant 400 : i32
    %add3A_604 = arith.addi %mul3A_2, %add3A_603 : i32
    %dma_wait3A_605 = arith.constant 0 : i32
    %dma_wait3A_606 = tpu.memref_slice %arg4[%add3A_604, %dma_wait3A_605] : memref<16384x1024xf32, #tpu.memory_space<hbm>> -> memref<16x1024xf32, #tpu.memory_space<hbm>>
    %dma_wait3A_607 = arith.constant 0 : i32
    %dma_wait3A_608 = tpu.memref_slice %arg4[%add3A_604, %dma_wait3A_607] : memref<16384x1024xf32, #tpu.memory_space<hbm>> -> memref<16x1024xf32, #tpu.memory_space<hbm>>
    tpu.wait_dma2 semaphore(%arg19 : memref<!tpu.dma_semaphore, #tpu.memory_space<semaphore_mem>>) src(%arg7 : memref<16x1024xf32, #tpu.memory_space<vmem>>) dst(%dma_wait3A_608 : memref<16x1024xf32, #tpu.memory_space<hbm>>)
    %dma_start3A_609 = arith.constant 496 : i32
    %dma_start3A_610 = tpu.memref_slice %arg5[%dma_start3A_609] : memref<512xi32, #tpu.memory_space<vmem>> -> memref<16xi32, #tpu.memory_space<vmem>>
    %dma_start3A_611 = arith.constant 0 : i32
    %dma_start3A_612 = arith.constant 0 : i32
    %dma_start3A_613 = tpu.memref_slice %arg2[%dma_start3A_611, %dma_start3A_612] : memref<8192x1024xf32, #tpu.memory_space<hbm>> -> memref<8192x1024xf32, #tpu.memory_space<hbm>>
    tpu.enqueue_indirect_dma source(%dma_start3A_613 : memref<8192x1024xf32, #tpu.memory_space<hbm>>) target(%arg7 : memref<16x1024xf32, #tpu.memory_space<vmem>>) offsets(%dma_start3A_610 : memref<16xi32, #tpu.memory_space<vmem>>) semaphore(%arg13 : memref<!tpu.dma_semaphore, #tpu.memory_space<semaphore_mem>>)
    %dma_wait3A_614 = arith.constant 432 : i32
    %dma_wait3A_615 = tpu.memref_slice %arg5[%dma_wait3A_614] : memref<512xi32, #tpu.memory_space<vmem>> -> memref<16xi32, #tpu.memory_space<vmem>>
    %dma_wait3A_616 = arith.constant 0 : i32
    %dma_wait3A_617 = arith.constant 0 : i32
    %dma_wait3A_618 = tpu.memref_slice %arg2[%dma_wait3A_616, %dma_wait3A_617] : memref<8192x1024xf32, #tpu.memory_space<hbm>> -> memref<8192x1024xf32, #tpu.memory_space<hbm>>
    tpu.wait_indirect_dma semaphore(%arg15 : memref<!tpu.dma_semaphore, #tpu.memory_space<semaphore_mem>>) src(%dma_wait3A_618 : memref<8192x1024xf32, #tpu.memory_space<hbm>>) dst(%arg9 : memref<16x1024xf32, #tpu.memory_space<vmem>>)
    %add3A_619 = arith.constant 432 : i32
    %add3A_620 = arith.addi %mul3A_2, %add3A_619 : i32
    %dma_start3A_621 = arith.constant 0 : i32
    %dma_start3A_622 = tpu.memref_slice %arg4[%add3A_620, %dma_start3A_621] : memref<16384x1024xf32, #tpu.memory_space<hbm>> -> memref<16x1024xf32, #tpu.memory_space<hbm>>
    %dma_start3A_623 = arith.constant 0 : i32
    %dma_start3A_624 = tpu.memref_slice %arg4[%add3A_620, %dma_start3A_623] : memref<16384x1024xf32, #tpu.memory_space<hbm>> -> memref<16x1024xf32, #tpu.memory_space<hbm>>
    tpu.enqueue_dma source(%arg9 : memref<16x1024xf32, #tpu.memory_space<vmem>>) target(%dma_start3A_624 : memref<16x1024xf32, #tpu.memory_space<hbm>>) target_semaphore(%arg21 : memref<!tpu.dma_semaphore, #tpu.memory_space<semaphore_mem>>)
    %dma_wait3A_625 = arith.constant 448 : i32
    %dma_wait3A_626 = tpu.memref_slice %arg5[%dma_wait3A_625] : memref<512xi32, #tpu.memory_space<vmem>> -> memref<16xi32, #tpu.memory_space<vmem>>
    %dma_wait3A_627 = arith.constant 0 : i32
    %dma_wait3A_628 = arith.constant 0 : i32
    %dma_wait3A_629 = tpu.memref_slice %arg2[%dma_wait3A_627, %dma_wait3A_628] : memref<8192x1024xf32, #tpu.memory_space<hbm>> -> memref<8192x1024xf32, #tpu.memory_space<hbm>>
    tpu.wait_indirect_dma semaphore(%arg16 : memref<!tpu.dma_semaphore, #tpu.memory_space<semaphore_mem>>) src(%dma_wait3A_629 : memref<8192x1024xf32, #tpu.memory_space<hbm>>) dst(%arg10 : memref<16x1024xf32, #tpu.memory_space<vmem>>)
    %add3A_630 = arith.constant 448 : i32
    %add3A_631 = arith.addi %mul3A_2, %add3A_630 : i32
    %dma_start3A_632 = arith.constant 0 : i32
    %dma_start3A_633 = tpu.memref_slice %arg4[%add3A_631, %dma_start3A_632] : memref<16384x1024xf32, #tpu.memory_space<hbm>> -> memref<16x1024xf32, #tpu.memory_space<hbm>>
    %dma_start3A_634 = arith.constant 0 : i32
    %dma_start3A_635 = tpu.memref_slice %arg4[%add3A_631, %dma_start3A_634] : memref<16384x1024xf32, #tpu.memory_space<hbm>> -> memref<16x1024xf32, #tpu.memory_space<hbm>>
    tpu.enqueue_dma source(%arg10 : memref<16x1024xf32, #tpu.memory_space<vmem>>) target(%dma_start3A_635 : memref<16x1024xf32, #tpu.memory_space<hbm>>) target_semaphore(%arg22 : memref<!tpu.dma_semaphore, #tpu.memory_space<semaphore_mem>>)
    %dma_wait3A_636 = arith.constant 464 : i32
    %dma_wait3A_637 = tpu.memref_slice %arg5[%dma_wait3A_636] : memref<512xi32, #tpu.memory_space<vmem>> -> memref<16xi32, #tpu.memory_space<vmem>>
    %dma_wait3A_638 = arith.constant 0 : i32
    %dma_wait3A_639 = arith.constant 0 : i32
    %dma_wait3A_640 = tpu.memref_slice %arg2[%dma_wait3A_638, %dma_wait3A_639] : memref<8192x1024xf32, #tpu.memory_space<hbm>> -> memref<8192x1024xf32, #tpu.memory_space<hbm>>
    tpu.wait_indirect_dma semaphore(%arg17 : memref<!tpu.dma_semaphore, #tpu.memory_space<semaphore_mem>>) src(%dma_wait3A_640 : memref<8192x1024xf32, #tpu.memory_space<hbm>>) dst(%arg11 : memref<16x1024xf32, #tpu.memory_space<vmem>>)
    %add3A_641 = arith.constant 464 : i32
    %add3A_642 = arith.addi %mul3A_2, %add3A_641 : i32
    %dma_start3A_643 = arith.constant 0 : i32
    %dma_start3A_644 = tpu.memref_slice %arg4[%add3A_642, %dma_start3A_643] : memref<16384x1024xf32, #tpu.memory_space<hbm>> -> memref<16x1024xf32, #tpu.memory_space<hbm>>
    %dma_start3A_645 = arith.constant 0 : i32
    %dma_start3A_646 = tpu.memref_slice %arg4[%add3A_642, %dma_start3A_645] : memref<16384x1024xf32, #tpu.memory_space<hbm>> -> memref<16x1024xf32, #tpu.memory_space<hbm>>
    tpu.enqueue_dma source(%arg11 : memref<16x1024xf32, #tpu.memory_space<vmem>>) target(%dma_start3A_646 : memref<16x1024xf32, #tpu.memory_space<hbm>>) target_semaphore(%arg23 : memref<!tpu.dma_semaphore, #tpu.memory_space<semaphore_mem>>)
    %dma_wait3A_647 = arith.constant 480 : i32
    %dma_wait3A_648 = tpu.memref_slice %arg5[%dma_wait3A_647] : memref<512xi32, #tpu.memory_space<vmem>> -> memref<16xi32, #tpu.memory_space<vmem>>
    %dma_wait3A_649 = arith.constant 0 : i32
    %dma_wait3A_650 = arith.constant 0 : i32
    %dma_wait3A_651 = tpu.memref_slice %arg2[%dma_wait3A_649, %dma_wait3A_650] : memref<8192x1024xf32, #tpu.memory_space<hbm>> -> memref<8192x1024xf32, #tpu.memory_space<hbm>>
    tpu.wait_indirect_dma semaphore(%arg12 : memref<!tpu.dma_semaphore, #tpu.memory_space<semaphore_mem>>) src(%dma_wait3A_651 : memref<8192x1024xf32, #tpu.memory_space<hbm>>) dst(%arg6 : memref<16x1024xf32, #tpu.memory_space<vmem>>)
    %add3A_652 = arith.constant 480 : i32
    %add3A_653 = arith.addi %mul3A_2, %add3A_652 : i32
    %dma_start3A_654 = arith.constant 0 : i32
    %dma_start3A_655 = tpu.memref_slice %arg4[%add3A_653, %dma_start3A_654] : memref<16384x1024xf32, #tpu.memory_space<hbm>> -> memref<16x1024xf32, #tpu.memory_space<hbm>>
    %dma_start3A_656 = arith.constant 0 : i32
    %dma_start3A_657 = tpu.memref_slice %arg4[%add3A_653, %dma_start3A_656] : memref<16384x1024xf32, #tpu.memory_space<hbm>> -> memref<16x1024xf32, #tpu.memory_space<hbm>>
    tpu.enqueue_dma source(%arg6 : memref<16x1024xf32, #tpu.memory_space<vmem>>) target(%dma_start3A_657 : memref<16x1024xf32, #tpu.memory_space<hbm>>) target_semaphore(%arg18 : memref<!tpu.dma_semaphore, #tpu.memory_space<semaphore_mem>>)
    %dma_wait3A_658 = arith.constant 496 : i32
    %dma_wait3A_659 = tpu.memref_slice %arg5[%dma_wait3A_658] : memref<512xi32, #tpu.memory_space<vmem>> -> memref<16xi32, #tpu.memory_space<vmem>>
    %dma_wait3A_660 = arith.constant 0 : i32
    %dma_wait3A_661 = arith.constant 0 : i32
    %dma_wait3A_662 = tpu.memref_slice %arg2[%dma_wait3A_660, %dma_wait3A_661] : memref<8192x1024xf32, #tpu.memory_space<hbm>> -> memref<8192x1024xf32, #tpu.memory_space<hbm>>
    tpu.wait_indirect_dma semaphore(%arg13 : memref<!tpu.dma_semaphore, #tpu.memory_space<semaphore_mem>>) src(%dma_wait3A_662 : memref<8192x1024xf32, #tpu.memory_space<hbm>>) dst(%arg7 : memref<16x1024xf32, #tpu.memory_space<vmem>>)
    %add3A_663 = arith.constant 496 : i32
    %add3A_664 = arith.addi %mul3A_2, %add3A_663 : i32
    %dma_start3A_665 = arith.constant 0 : i32
    %dma_start3A_666 = tpu.memref_slice %arg4[%add3A_664, %dma_start3A_665] : memref<16384x1024xf32, #tpu.memory_space<hbm>> -> memref<16x1024xf32, #tpu.memory_space<hbm>>
    %dma_start3A_667 = arith.constant 0 : i32
    %dma_start3A_668 = tpu.memref_slice %arg4[%add3A_664, %dma_start3A_667] : memref<16384x1024xf32, #tpu.memory_space<hbm>> -> memref<16x1024xf32, #tpu.memory_space<hbm>>
    tpu.enqueue_dma source(%arg7 : memref<16x1024xf32, #tpu.memory_space<vmem>>) target(%dma_start3A_668 : memref<16x1024xf32, #tpu.memory_space<hbm>>) target_semaphore(%arg19 : memref<!tpu.dma_semaphore, #tpu.memory_space<semaphore_mem>>)
    %add3A_669 = arith.constant 416 : i32
    %add3A_670 = arith.addi %mul3A_2, %add3A_669 : i32
    %dma_wait3A_671 = arith.constant 0 : i32
    %dma_wait3A_672 = tpu.memref_slice %arg4[%add3A_670, %dma_wait3A_671] : memref<16384x1024xf32, #tpu.memory_space<hbm>> -> memref<16x1024xf32, #tpu.memory_space<hbm>>
    %dma_wait3A_673 = arith.constant 0 : i32
    %dma_wait3A_674 = tpu.memref_slice %arg4[%add3A_670, %dma_wait3A_673] : memref<16384x1024xf32, #tpu.memory_space<hbm>> -> memref<16x1024xf32, #tpu.memory_space<hbm>>
    tpu.wait_dma2 semaphore(%arg20 : memref<!tpu.dma_semaphore, #tpu.memory_space<semaphore_mem>>) src(%arg8 : memref<16x1024xf32, #tpu.memory_space<vmem>>) dst(%dma_wait3A_674 : memref<16x1024xf32, #tpu.memory_space<hbm>>)
    %add3A_675 = arith.constant 432 : i32
    %add3A_676 = arith.addi %mul3A_2, %add3A_675 : i32
    %dma_wait3A_677 = arith.constant 0 : i32
    %dma_wait3A_678 = tpu.memref_slice %arg4[%add3A_676, %dma_wait3A_677] : memref<16384x1024xf32, #tpu.memory_space<hbm>> -> memref<16x1024xf32, #tpu.memory_space<hbm>>
    %dma_wait3A_679 = arith.constant 0 : i32
    %dma_wait3A_680 = tpu.memref_slice %arg4[%add3A_676, %dma_wait3A_679] : memref<16384x1024xf32, #tpu.memory_space<hbm>> -> memref<16x1024xf32, #tpu.memory_space<hbm>>
    tpu.wait_dma2 semaphore(%arg21 : memref<!tpu.dma_semaphore, #tpu.memory_space<semaphore_mem>>) src(%arg9 : memref<16x1024xf32, #tpu.memory_space<vmem>>) dst(%dma_wait3A_680 : memref<16x1024xf32, #tpu.memory_space<hbm>>)
    %add3A_681 = arith.constant 448 : i32
    %add3A_682 = arith.addi %mul3A_2, %add3A_681 : i32
    %dma_wait3A_683 = arith.constant 0 : i32
    %dma_wait3A_684 = tpu.memref_slice %arg4[%add3A_682, %dma_wait3A_683] : memref<16384x1024xf32, #tpu.memory_space<hbm>> -> memref<16x1024xf32, #tpu.memory_space<hbm>>
    %dma_wait3A_685 = arith.constant 0 : i32
    %dma_wait3A_686 = tpu.memref_slice %arg4[%add3A_682, %dma_wait3A_685] : memref<16384x1024xf32, #tpu.memory_space<hbm>> -> memref<16x1024xf32, #tpu.memory_space<hbm>>
    tpu.wait_dma2 semaphore(%arg22 : memref<!tpu.dma_semaphore, #tpu.memory_space<semaphore_mem>>) src(%arg10 : memref<16x1024xf32, #tpu.memory_space<vmem>>) dst(%dma_wait3A_686 : memref<16x1024xf32, #tpu.memory_space<hbm>>)
    %add3A_687 = arith.constant 464 : i32
    %add3A_688 = arith.addi %mul3A_2, %add3A_687 : i32
    %dma_wait3A_689 = arith.constant 0 : i32
    %dma_wait3A_690 = tpu.memref_slice %arg4[%add3A_688, %dma_wait3A_689] : memref<16384x1024xf32, #tpu.memory_space<hbm>> -> memref<16x1024xf32, #tpu.memory_space<hbm>>
    %dma_wait3A_691 = arith.constant 0 : i32
    %dma_wait3A_692 = tpu.memref_slice %arg4[%add3A_688, %dma_wait3A_691] : memref<16384x1024xf32, #tpu.memory_space<hbm>> -> memref<16x1024xf32, #tpu.memory_space<hbm>>
    tpu.wait_dma2 semaphore(%arg23 : memref<!tpu.dma_semaphore, #tpu.memory_space<semaphore_mem>>) src(%arg11 : memref<16x1024xf32, #tpu.memory_space<vmem>>) dst(%dma_wait3A_692 : memref<16x1024xf32, #tpu.memory_space<hbm>>)
    %add3A_693 = arith.constant 480 : i32
    %add3A_694 = arith.addi %mul3A_2, %add3A_693 : i32
    %dma_wait3A_695 = arith.constant 0 : i32
    %dma_wait3A_696 = tpu.memref_slice %arg4[%add3A_694, %dma_wait3A_695] : memref<16384x1024xf32, #tpu.memory_space<hbm>> -> memref<16x1024xf32, #tpu.memory_space<hbm>>
    %dma_wait3A_697 = arith.constant 0 : i32
    %dma_wait3A_698 = tpu.memref_slice %arg4[%add3A_694, %dma_wait3A_697] : memref<16384x1024xf32, #tpu.memory_space<hbm>> -> memref<16x1024xf32, #tpu.memory_space<hbm>>
    tpu.wait_dma2 semaphore(%arg18 : memref<!tpu.dma_semaphore, #tpu.memory_space<semaphore_mem>>) src(%arg6 : memref<16x1024xf32, #tpu.memory_space<vmem>>) dst(%dma_wait3A_698 : memref<16x1024xf32, #tpu.memory_space<hbm>>)
    %add3A_699 = arith.constant 496 : i32
    %add3A_700 = arith.addi %mul3A_2, %add3A_699 : i32
    %dma_wait3A_701 = arith.constant 0 : i32
    %dma_wait3A_702 = tpu.memref_slice %arg4[%add3A_700, %dma_wait3A_701] : memref<16384x1024xf32, #tpu.memory_space<hbm>> -> memref<16x1024xf32, #tpu.memory_space<hbm>>
    %dma_wait3A_703 = arith.constant 0 : i32
    %dma_wait3A_704 = tpu.memref_slice %arg4[%add3A_700, %dma_wait3A_703] : memref<16384x1024xf32, #tpu.memory_space<hbm>> -> memref<16x1024xf32, #tpu.memory_space<hbm>>
    tpu.wait_dma2 semaphore(%arg19 : memref<!tpu.dma_semaphore, #tpu.memory_space<semaphore_mem>>) src(%arg7 : memref<16x1024xf32, #tpu.memory_space<vmem>>) dst(%dma_wait3A_704 : memref<16x1024xf32, #tpu.memory_space<hbm>>)
    return
  }
}

</mosaic_0001>

<sc_bundles>
// kernel: kernel.3.cloned.1.call-start
scs
__scs_entry_jumppad:
0x0: {  	(pc) =	sbr.rel $0x88, $3  }
0x1: {  	(tag) =	ssettag $0x0;
	lr =	simm.s32 $0x1  }
0x2: {  	[smem:$0x3F9F] =	sst lr;
	_ =	strace $0xD0000000  }
0x3: {  	_ = 	snop  }
0x4: {  	_ = 	snop  }
0x5: {  	_ = 	snop  }
0x6: {  	_ = 	snop  }
0x7: {  	_ = 	snop  }
__scs_overlays_trampoline_lowered:
0x8: {  	[smem:$0x3FAE] =	sst s0  }
0x9: {  	[smem:$0x3FAF] =	sst s1  }
0xa: {  	[smem:$0x3FB0] =	sst s2  }
0xb: {  	[smem:$0x3FB1] =	sst s3  }
0xc: {  	[smem:$0x3FB2] =	sst s4  }
0xd: {  	[smem:$0x3FB3] =	sst s5  }
0xe: {  	[smem:$0x3FB4] =	sst s6  }
0xf: {  	[smem:$0x3FB5] =	sst s7  }
0x10: {  	[smem:$0x3FB6] =	sst s8  }
0x11: {  	[smem:$0x3FB7] =	sst s9;
	s0 =	simm.s32 @!p0 $0x0  }
0x12: {  	s1 =	sld [smem:$0x3F9D];
	s0 =	simm.s32 @p0 $0x1  }
0x13: {  	[smem:$0x3FB8] =	sst s0;
	s0 =	simm.s32 @!p1 $0x0  }
0x14: {  	s2 =	sld [smem:$0x3F9C];
	s0 =	simm.s32 @p1 $0x1  }
0x15: {  	[smem:$0x3FB9] =	sst s0;
	s0 =	simm.s32 @!p2 $0x0  }
0x16: {  	s3 =	sld [smem:$0x3FDB];
	s0 =	simm.s32 @p2 $0x1  }
0x17: {  	s4 =	simm.s32 $0x1BF5;
	[smem:$0x3FBB] =	sst s0  }
0x18: {  	s0 =	sld [smem:$0x3F9E];
	_ =	swait.ge [sflag:s4], $0x0  }
0x19: {  	s7 =	sld [smem:$0x3F9F]  }
0x1a: {  	s8 =	sadd.s32 $0xFFFFE003, lr  }
0x1b: {  	s9 =	sadd.s32 $0xFFFFFEF7, lr;
	s5 =	simm.s32 $0xFFFFFFFF;
	p2 =	slt.u32 s8, $0xFFFFF086  }
0x1c: {  	p1 =	slt.u32 s9, $0xF7A;
	s5 =	simm.s32 @!p2 $0x0  }
0x1d: {  	s5 =	simm.s32 @p1 $0x1;
	p0 =	seq.s32 s7, s2  }
0x1e: {  	s7 =	smul.u32 @!p0 $0xF7A, s2;
	p2 =	seq.s32 @!p0 s5, $0x0  }
0x1f: {  	s9 =	smul.u32 $0xF7A, s1;
	s8 =	simm.s32 @!p0 $0x1BF5;
	p2 =	por !p2, p0  }
0x20: {  	[sflag:s8] =	ssyncset.s32 @!p0 $0xFFFFF086;
	s6 =	sadd.s32 @!p0 s3, s7;
	s7 =	simm.s32 @!p0 $0x108  }
0x21: {  	s3 =	sadd.s32 s3, s9;
	s6 =	sadd.s32 @!p0 $0x88, s6;
	s7 =	simm.s32 @p2 $0x1082  }
0x22: {  	[simem:s7], [sflag:s8] =	dma.local @!p0 [hbm:s6], $0xF7A  }
0x23: {  	s9 =	sor.u32 $0xD0000000, s2;
	s6 =	simm.s32 $0x108;
	_ =	swait.ge @!p0 [sflag:s8], $0x0  }
0x24: {  	s3 =	sadd.s32 $0x88, s3;
	s6 =	simm.s32 @!p1 $0x1082;
	[sflag:s4] =	ssyncset.s32 $0xFFFFF086  }
0x25: {  	[simem:s6], [sflag:s4] =	dma.local [hbm:s3], $0xF7A  }
0x26: {  	[smem:$0x3F9F] =	sst s1;
	(tag) =	ssettag s2;
	_ =	strace s9  }
0x27: {  	s1 =	sld [smem:$0x3FAF]  }
0x28: {  	s2 =	sld [smem:$0x3FB0]  }
0x29: {  	s4 =	sld [smem:$0x3FB2]  }
0x2a: {  	p0 =	seq.s32 s5, $0x0;
	s5 =	sld [smem:$0x3FB3]  }
0x2b: {  	s6 =	sld [smem:$0x3FB4]  }
0x2c: {  	s7 =	sld [smem:$0x3FB5]  }
0x2d: {  	s3 =	simm.s32 $0x108;
	s8 =	sld [smem:$0x3FB6]  }
0x2e: {  	s3 =	simm.s32 @!p0 $0x1082;
	s9 =	sld [smem:$0x3FB7]  }
0x2f: {  	lr =	sadd.s32 s0, s3;
	s0 =	sld [smem:$0x3FAE]  }
0x30: {  	s3 =	sld [smem:$0x3FB1]  }
0x31: {  	[smem:$0x3FBA] =	sst s10  }
0x32: {  	s10 =	sld [smem:$0x3FB8];
	_ =	sdelay $0x3  }
0x33: {  	p0 =	seq.s32 s10, $0x1;
	s10 =	sld [smem:$0x3FBA];
	_ =	sdelay $0x3  }
0x34: {  	[smem:$0x3FBA] =	sst s10  }
0x35: {  	s10 =	sld [smem:$0x3FB9];
	_ =	sdelay $0x3  }
0x36: {  	p1 =	seq.s32 s10, $0x1;
	s10 =	sld [smem:$0x3FBA];
	_ =	sdelay $0x3  }
0x37: {  	[smem:$0x3FBA] =	sst s10  }
0x38: {  	s10 =	sld [smem:$0x3FBB]  }
0x39: {  	_ = 	snop;
	(pc) =	sbr.ind lr, $3  }
0x3a: {  	_ = 	snop  }
0x3b: {  	_ = 	snop  }
0x3c: {  	p2 =	seq.s32 s10, $0x1;
	s10 =	sld [smem:$0x3FBA]  }
0x3d: {  	_ =	shalt  }
0x3e: {  	_ =	shalt  }
0x3f: {  	_ =	shalt  }
0x40: {  	_ =	shalt  }
0x41: {  	_ =	shalt  }
0x42: {  	_ =	shalt  }
0x43: {  	_ =	shalt  }
0x44: {  	_ =	shalt  }
0x45: {  	_ =	shalt  }
0x46: {  	_ =	shalt  }
0x47: {  	_ =	shalt  }
0x48: {  	_ =	shalt  }
0x49: {  	_ =	shalt  }
0x4a: {  	_ =	shalt  }
0x4b: {  	_ =	shalt  }
0x4c: {  	_ =	shalt  }
0x4d: {  	_ =	shalt  }
0x4e: {  	_ =	shalt  }
0x4f: {  	_ =	shalt  }
0x50: {  	_ =	shalt  }
0x51: {  	_ =	shalt  }
0x52: {  	_ =	shalt  }
0x53: {  	_ =	shalt  }
0x54: {  	_ =	shalt  }
0x55: {  	_ =	shalt  }
0x56: {  	_ =	shalt  }
0x57: {  	_ =	shalt  }
0x58: {  	_ =	shalt  }
0x59: {  	_ =	shalt  }
0x5a: {  	_ =	shalt  }
0x5b: {  	_ =	shalt  }
0x5c: {  	_ =	shalt  }
0x5d: {  	_ =	shalt  }
0x5e: {  	_ =	shalt  }
0x5f: {  	_ =	shalt  }
0x60: {  	_ =	shalt  }
0x61: {  	_ =	shalt  }
0x62: {  	_ =	shalt  }
0x63: {  	_ =	shalt  }
0x64: {  	_ =	shalt  }
0x65: {  	_ =	shalt  }
0x66: {  	_ =	shalt  }
0x67: {  	_ =	shalt  }
0x68: {  	_ =	shalt  }
0x69: {  	_ =	shalt  }
0x6a: {  	_ =	shalt  }
0x6b: {  	_ =	shalt  }
0x6c: {  	_ =	shalt  }
0x6d: {  	_ =	shalt  }
0x6e: {  	_ =	shalt  }
0x6f: {  	_ =	shalt  }
0x70: {  	_ =	shalt  }
0x71: {  	_ =	shalt  }
0x72: {  	_ =	shalt  }
0x73: {  	_ =	shalt  }
0x74: {  	_ =	shalt  }
0x75: {  	_ =	shalt  }
0x76: {  	_ =	shalt  }
0x77: {  	_ =	shalt  }
0x78: {  	_ =	shalt  }
0x79: {  	_ =	shalt  }
0x7a: {  	_ =	shalt  }
0x7b: {  	_ =	shalt  }
0x7c: {  	_ =	shalt  }
0x7d: {  	_ =	shalt  }
0x7e: {  	_ =	shalt  }
0x7f: {  	_ =	shalt  }
0x80: {  	_ =	shalt  }
0x81: {  	_ =	shalt  }
0x82: {  	_ =	shalt  }
0x83: {  	_ =	shalt  }
0x84: {  	_ =	shalt  }
0x85: {  	_ =	shalt  }
0x86: {  	_ =	shalt  }
0x87: {  	_ =	shalt  }
.Lfunc_end0:
.L_simem_size_0:
called_computation_lowered:
.L_overlay_start_0:
0x88: {  	s2 =	sld [smem:$0x3FD9]  }
0x89: {  	s3 =	sld [smem:$0x3FFE];
	_ =	sdelay $0x1  }
0x8a: {  	s1 =	srdreg.scid  }
0x8b: {  	s0 =	sand.u32 $0x1, s1  }
0x8c: {  	s18 =	sshll.u32 s0, $0xA;
	s2 =	sadd.s32 s3, s2  }
0x8d: {  	s2 =	sadd.s32 s2, s18  }
0x8e: {  	[smem:$0x3FC6] =	sst s2  }
0x8f: {  	_ = 	snop  }
0x90: {  	s2 =	sld [smem:$0x3FC9]  }
0x91: {  	s19 =	sld [smem:$0x3FC8]  }
0x92: {  	s4 =	sld [smem:$0x3FD0];
	(tm) =	ssettm $0x1  }
0x93: {  	s5 =	sld [smem:$0x3FFB];
	_ =	sdelay $0x3  }
0x94: {  	_ =	strace s5  }
0x95: {  	s5 =	sld [smem:$0x3FFC];
	_ =	sdelay $0x3  }
0x96: {  	_ =	strace s5  }
0x97: {  	s5 =	sld [smem:$0x3FFD];
	_ =	sdelay $0x3  }
0x98: {  	_ =	strace s5  }
0x99: {  	_ =	strace $0x8FFFFFFF  }
0x9a: {  	s20 =	sld [smem:$0x3FDB];
	_ =	sdelay $0x1  }
0x9b: {  	s6 =	simm.s32 $_scs_section_size  }
0x9c: {  	s7 =	simm.s32 $_size__tile_overlayer_lowered;
	s8 =	simm.s32 $_tile_overlayer_lowered  }
0x9d: {  	s23 =	simm.s32 $0x1BFF;
	s22 =	sshll.u32 s8, $0x1;
	s5 =	sadd.s32 s6, s20  }
0x9e: {  	s9 =	simm.s32 $0x0;
	s21 =	sshll.u32 s7, $0x1;
	s7 =	sadd.s32 s22, s5  }
0x9f: {  	[timem:s9], [sflag:s23] =	dma.local [hbm:s7], s21  }
0xa0: {  	_ =	swait.ge [sflag:s23], s21  }
0xa1: {  	s6 =	ssub.s32 $0x0, s21;
	[sflag:s23] =	ssyncset.done $0x0  }
0xa2: {  	[sflag:s23] =	ssyncadd.s32 s6;
	_ =	sdelay $0x1  }
0xa3: {  	s24 =	simm.s32 $0x1B8B  }
0xa4: {  	_ =	swait.ge [sflag:s24], $0x1  }
0xa5: {  	[sflag:s24] =	ssyncset.done $0x0  }
0xa6: {  	s25 =	simm.s32 $0x1B8E;
	[sflag:s24] =	ssyncadd.s32 $0xFFFFFFFF  }
0xa7: {  	s26 =	simm.s32 $execute0_lowered;
	[smem:$0x3FD2] =	sst s25  }
0xa8: {  	s6 =	sshll.u32 s26, $0x1;
	_ =	strace $0x80000046;
	[dreg:$0x1] =	wrdreg $0xFFFFFFFF  }
0xa9: {  	s28 =	simm.s32 $_size_execute0_lowered;
	s5 =	sadd.s32 s5, s6;
	[dreg:$0x0] =	wrdreg $0x0  }
0xaa: {  	s6 =	sshll.u32 s28, $0x1;
	[dreg:$0x2] =	wrdreg s5  }
0xab: {  	[dreg:$0x3] =	wrdreg s6  }
0xac: {  	[dreg:$0x4] =	wrdreg $0xC0  }
0xad: {  	_ =	task [dreg:s9], $0x5FFFF  }
0xae: {  	[dreg:$0x1] =	wrdreg $0xFFFFFFFF  }
0xaf: {  	[dreg:$0x0] =	wrdreg $0x60  }
0xb0: {  	[dreg:$0x2] =	wrdreg s2  }
0xb1: {  	[dreg:$0x3] =	wrdreg s19  }
0xb2: {  	[dreg:$0x4] =	wrdreg s4  }
0xb3: {  	[dreg:$0x5] =	wrdreg $0x9  }
0xb4: {  	_ =	task.clear_ibuf [dreg:s9], $0x6FFFF;
	_ =	strace $0x90000046  }
0xb5: {  	s29 =	simm.s32 $0x9;
	_ =	strace $0x80000048  }
0xb6: {  	_ =	swait.ge [sflag:s29], $0x1  }
0xb7: {  	[sflag:s29] =	ssyncadd.s32 $0xFFFFFFFF  }
0xb8: {  	_ =	strace $0x90000048  }
0xb9: {  	_ =	sfence  }
0xba: {  	s30 =	sld [smem:$0x0];
	_ =	sdelay $0x2  }
0xbb: {  	s31 =	sshll.u32 s1, $0xD;
	s1 =	sshrl.u32 s1, $0x2  }
0xbc: {  	s3 =	sand.u32 $0x4000, s31;
	s1 =	sadd.s32 s1, s30  }
0xbd: {  	s0 =	sor.u32 s3, s0;
	s1 =	sshll.u32 s1, $0x11  }
0xbe: {  	s0 =	sor.u32 s1, s0  }
0xbf: {  	s0 =	sadd.s32 $0x8F2B, s0  }
0xc0: {  	[sflag:s0] =	ssyncadd.remote.s32 $0x1  }
0xc1: {  	_ =	sfence.sel $0xFFFF  }
0xc2: {  	[dreg:$0x0] =	wrdreg $0xFFFFFFFF;
	(pc) =	sbr.abs _section_cstart, $3  }
0xc3: {  	[dreg:$0x1] =	wrdreg $0xFFFFFFFF  }
0xc4: {  	_ =	task.clear_ibuf [dreg:s9], $0x2FFFF;
	_ =	strace $0x9FFFFFFF  }
0xc5: {  	(tm) =	ssettm $0x7FFFFFFF  }
tec
execute0_lowered:
.L_overlay_start_1:
0x0: {  	(tag) =	ssettag $0x1  }
0x1: {  	s0 =	srdreg.scid  }
0x2: {  	s3 =	stileid.u32;
	s0 =	sand.u32 $0x1, s0  }
0x3: {  	s1 =	rddreg [dreg:$0x0];
	s5 =	sshll.u32 s3, $0xA;
	s6 =	sshll.u32 s0, $0x9  }
0x4: {  	s2 =	rddreg [dreg:$0x1];
	s5 =	sor.u32 s6, s5  }
0x5: {  	s4 =	rddreg [dreg:$0x2];
	s3 =	simm.s32 $0x0;
	s6 =	sshrl.u32 s5, $0x3  }
0x6: {  	[smem:$0x7FF] =	sst s3;
	s5 =	sshll.u32 s5, $0x7;
	s2 =	sadd.s32 s2, s6  }
0x7: {  	_ =	strace $0x80000047;
	s8 =	sadd.s32 s4, s5;
	[dreg:$0x4] =	wrdreg s2  }
0x8: {  	s23 =	sadd.s32 $0x800, s8;
	[smem:$0x7FC] =	sst s8  }
0x9: {  	s24 =	sadd.s32 $0x1000, s8;
	[dreg:$0x5] =	wrdreg s23  }
0xa: {  	s25 =	sadd.s32 $0x1800, s8;
	[dreg:$0x6] =	wrdreg s24  }
0xb: {  	s26 =	sadd.s32 $0x2000, s8;
	[dreg:$0x7] =	wrdreg s25  }
0xc: {  	s28 =	sadd.s32 $0x2800, s8;
	[dreg:$0x8] =	wrdreg s26  }
0xd: {  	s30 =	sadd.s32 $0x3000, s8;
	[dreg:$0x9] =	wrdreg s28  }
0xe: {  	s31 =	sadd.s32 $0x3800, s8;
	[dreg:$0xa] =	wrdreg s30  }
0xf: {  	s4 =	sadd.s32 $0x4000, s8;
	[dreg:$0xb] =	wrdreg s31  }
0x10: {  	s5 =	sadd.s32 $0x4800, s8;
	[dreg:$0xc] =	wrdreg s4  }
0x11: {  	s6 =	sadd.s32 $0x5000, s8;
	[dreg:$0xd] =	wrdreg s5  }
0x12: {  	s7 =	sadd.s32 $0x5800, s8;
	[dreg:$0xe] =	wrdreg s6  }
0x13: {  	s9 =	sadd.s32 $0x6000, s8;
	[dreg:$0xf] =	wrdreg s7  }
0x14: {  	s10 =	sadd.s32 $0x6800, s8;
	[dreg:$0x10] =	wrdreg s9  }
0x15: {  	s11 =	sadd.s32 $0x7000, s8;
	[dreg:$0x11] =	wrdreg s10  }
0x16: {  	s12 =	sadd.s32 $0x7800, s8;
	[dreg:$0x12] =	wrdreg s11  }
0x17: {  	s13 =	sadd.s32 $0x8000, s8;
	[dreg:$0x13] =	wrdreg s12  }
0x18: {  	s14 =	sadd.s32 $0x8800, s8;
	[dreg:$0x14] =	wrdreg s13  }
0x19: {  	s15 =	sadd.s32 $0x9000, s8;
	[dreg:$0x15] =	wrdreg s14  }
0x1a: {  	s16 =	sadd.s32 $0x9800, s8;
	[dreg:$0x16] =	wrdreg s15  }
0x1b: {  	s17 =	sadd.s32 $0xA000, s8;
	[dreg:$0x17] =	wrdreg s16  }
0x1c: {  	s18 =	sadd.s32 $0xA800, s8;
	[dreg:$0x18] =	wrdreg s17  }
0x1d: {  	s19 =	sadd.s32 $0xB000, s8;
	[dreg:$0x19] =	wrdreg s18  }
0x1e: {  	s20 =	sadd.s32 $0xB800, s8;
	[dreg:$0x1a] =	wrdreg s19  }
0x1f: {  	s29 =	simm.s32 $0x7;
	s21 =	sadd.s32 $0xC000, s8;
	[dreg:$0x1b] =	wrdreg s20  }
0x20: {  	s0 =	ssub.s32 $0x2, s0;
	s22 =	sadd.s32 $0xC800, s8;
	[dreg:$0x1c] =	wrdreg s21  }
0x21: {  	s2 =	simm.s32 $0x8;
	[dreg:$0x1d] =	wrdreg s22;
	s23 =	sadd.s32 $0xD000, s8  }
0x22: {  	s24 =	sshrl.u32 s0, $0x1;
	s25 =	sadd.s32 $0xD800, s8;
	s26 =	sadd.s32 $0xE000, s8  }
0x23: {  	s5 =	sadd.s32 $0x100, s1;
	s28 =	sadd.s32 $0xE800, s8;
	s6 =	sadd.s32 $0x200, s1  }
0x24: {  	s30 =	sadd.s32 $0xF000, s8;
	s7 =	sadd.s32 $0x300, s1;
	[dreg:$0x1e] =	wrdreg s23  }
0x25: {  	s31 =	sadd.s32 $0xF800, s8;
	s9 =	simm.s32 $0x2;
	[dreg:$0x1f] =	wrdreg s25  }
0x26: {  	s11 =	simm.s32 $0x4;
	s12 =	simm.s32 $0x9;
	[smem:$0x7F9] =	sst s26  }
0x27: {  	s13 =	simm.s32 $0x5;
	s14 =	simm.s32 $0xA;
	[smem:$0x7FA] =	sst s28  }
0x28: {  	v2 =	vlaneseq.u32;
	s15 =	simm.s32 $0x6;
	s16 =	simm.s32 $0xB;
	[smem:$0x7FB] =	sst s30  }
0x29: {  	vm0 =	vmmov $0xffff;
	v1 =	vshrl.u32 v2, $0x3;
	s17 =	simm.s32 $0xC;
	s0 =	ssub.s32 s0, s24;
	[smem:$0x7FD] =	sst s31  }
0x2a: {  	v0 =	vand.u32 $0x7, v2;
	v2 =	vor.u32 $0x8, v2;
	v1 =	vmul.u32 $0x8, v1;
	s26 =	simm.s32 $0x3;
	s4 =	smax.u32 s0, $0x1;
	s0 =	simm.s32 $0x1  }
.LBB2_1:
0x2b: {  	[smem:$0x7F8] =	sst s4  }
0x2c: {  	s19 =	rddreg [dreg:$0x4];
	s28 =	simm.s32 $0xD  }
0x2d: {  	[tilespmem:s3], [sflag:$0xD] =	stream.linear.gather [hbm4b:s19+s3], $0x200, $0x38;
	[tilespmem:$0x18200] =	vst v63  }
0x2e: {  	_ =	swait.ge [sflag:s28], $0x200  }
0x2f: {  	[sflag:s28] =	ssyncset.done $0x0  }
0x30: {  	[sflag:s28] =	ssyncadd.s32 $0xFFFFFE00  }
0x31: {  	v3 =	vld [tilespmem:$0x0];
	_ =	sdelay $0x4  }
0x32: {  	v4 =	vshll.u32 v3, $0x3  }
0x33: {  	v3 =	vand.u32 $0x7, v3;
	v4 =	vand.u32 $0xFFFFFFC0, v4  }
0x34: {  	v3 =	vor.u32 v3, v4  }
0x35: {  	v4 =	vperm.xlane v3, v0;
	_ =	sdelay $0x1  }
0x36: {  	v4 =	vadd.s32 v1, v4;
	_ =	sdelay $0x3  }
0x37: {  	s30 =	simm.s32 $0x200  }
0x38: {  	[tilespmem:s30], [sflag:$0x1] =	stream.indirect_vreg.gather [hbm4b:s1+s3], $0x80, v4, vm0, $0xb8;
	[tilespmem:$0x18200] =	vst v63  }
0x39: {  	s31 =	simm.s32 $0xA00;
	v3 =	vperm.xlane v3, v2  }
0x3a: {  	[tilespmem:s31], [sflag:$0x1] =	stream.indirect_vreg.gather [hbm4b:s5+s3], $0x80, v4, vm0, $0xb8;
	[tilespmem:$0x18200] =	vst v63  }
0x3b: {  	s8 =	simm.s32 $0x1200;
	v3 =	vadd.s32 v1, v3  }
0x3c: {  	[tilespmem:s8], [sflag:$0x1] =	stream.indirect_vreg.gather [hbm4b:s6+s3], $0x80, v4, vm0, $0xb8;
	[tilespmem:$0x18200] =	vst v63  }
0x3d: {  	s10 =	simm.s32 $0x1A00  }
0x3e: {  	[tilespmem:s10], [sflag:$0x1] =	stream.indirect_vreg.gather [hbm4b:s7+s3], $0x80, v4, vm0, $0xb8;
	[tilespmem:$0x18200] =	vst v63  }
0x3f: {  	s18 =	simm.s32 $0x2200  }
0x40: {  	[tilespmem:s18], [sflag:$0x1] =	stream.indirect_vreg.gather [hbm4b:s1+s3], $0x80, v3, vm0, $0xb8;
	[tilespmem:$0x18200] =	vst v63  }
0x41: {  	s19 =	simm.s32 $0x2A00  }
0x42: {  	[tilespmem:s19], [sflag:$0x1] =	stream.indirect_vreg.gather [hbm4b:s5+s3], $0x80, v3, vm0, $0xb8;
	[tilespmem:$0x18200] =	vst v63  }
0x43: {  	s20 =	simm.s32 $0x3200  }
0x44: {  	[tilespmem:s20], [sflag:$0x1] =	stream.indirect_vreg.gather [hbm4b:s6+s3], $0x80, v3, vm0, $0xb8;
	[tilespmem:$0x18200] =	vst v63  }
0x45: {  	s21 =	simm.s32 $0x3A00  }
0x46: {  	[tilespmem:s21], [sflag:$0x1] =	stream.indirect_vreg.gather [hbm4b:s7+s3], $0x80, v3, vm0, $0xb8;
	[tilespmem:$0x18200] =	vst v63  }
0x47: {  	v3 =	vld [tilespmem:$0x10];
	_ =	sdelay $0x4  }
0x48: {  	v33 =	vshll.u32 v3, $0x3  }
0x49: {  	v3 =	vand.u32 $0x7, v3;
	v4 =	vand.u32 $0xFFFFFFC0, v33  }
0x4a: {  	v3 =	vor.u32 v3, v4  }
0x4b: {  	v4 =	vperm.xlane v3, v0;
	_ =	sdelay $0x1  }
0x4c: {  	v4 =	vadd.s32 v1, v4;
	_ =	sdelay $0x3  }
0x4d: {  	s28 =	simm.s32 $0x4200  }
0x4e: {  	[tilespmem:s28], [sflag:$0x2] =	stream.indirect_vreg.gather [hbm4b:s1+s3], $0x80, v4, vm0, $0xb8;
	[tilespmem:$0x18200] =	vst v63  }
0x4f: {  	s30 =	simm.s32 $0x4A00;
	v3 =	vperm.xlane v3, v2  }
0x50: {  	[tilespmem:s30], [sflag:$0x2] =	stream.indirect_vreg.gather [hbm4b:s5+s3], $0x80, v4, vm0, $0xb8;
	[tilespmem:$0x18200] =	vst v63  }
0x51: {  	s31 =	simm.s32 $0x5200;
	v3 =	vadd.s32 v1, v3  }
0x52: {  	[tilespmem:s31], [sflag:$0x2] =	stream.indirect_vreg.gather [hbm4b:s6+s3], $0x80, v4, vm0, $0xb8;
	[tilespmem:$0x18200] =	vst v63  }
0x53: {  	s4 =	simm.s32 $0x5A00  }
0x54: {  	[tilespmem:s4], [sflag:$0x2] =	stream.indirect_vreg.gather [hbm4b:s7+s3], $0x80, v4, vm0, $0xb8;
	[tilespmem:$0x18200] =	vst v63  }
0x55: {  	s10 =	simm.s32 $0x6200  }
0x56: {  	[tilespmem:s10], [sflag:$0x2] =	stream.indirect_vreg.gather [hbm4b:s1+s3], $0x80, v3, vm0, $0xb8;
	[tilespmem:$0x18200] =	vst v63  }
0x57: {  	s18 =	simm.s32 $0x6A00  }
0x58: {  	[tilespmem:s18], [sflag:$0x2] =	stream.indirect_vreg.gather [hbm4b:s5+s3], $0x80, v3, vm0, $0xb8;
	[tilespmem:$0x18200] =	vst v63  }
0x59: {  	s20 =	simm.s32 $0x7200  }
0x5a: {  	[tilespmem:s20], [sflag:$0x2] =	stream.indirect_vreg.gather [hbm4b:s6+s3], $0x80, v3, vm0, $0xb8;
	[tilespmem:$0x18200] =	vst v63  }
0x5b: {  	s28 =	simm.s32 $0x7A00  }
0x5c: {  	[tilespmem:s28], [sflag:$0x2] =	stream.indirect_vreg.gather [hbm4b:s7+s3], $0x80, v3, vm0, $0xb8;
	[tilespmem:$0x18200] =	vst v63  }
0x5d: {  	v3 =	vld [tilespmem:$0x20];
	_ =	sdelay $0x4  }
0x5e: {  	v34 =	vshll.u32 v3, $0x3  }
0x5f: {  	v3 =	vand.u32 $0x7, v3;
	v4 =	vand.u32 $0xFFFFFFC0, v34  }
0x60: {  	v3 =	vor.u32 v3, v4  }
0x61: {  	v4 =	vperm.xlane v3, v0;
	_ =	sdelay $0x1  }
0x62: {  	v4 =	vadd.s32 v1, v4;
	_ =	sdelay $0x3  }
0x63: {  	s10 =	simm.s32 $0x8200  }
0x64: {  	[tilespmem:s10], [sflag:$0x3] =	stream.indirect_vreg.gather [hbm4b:s1+s3], $0x80, v4, vm0, $0xb8;
	[tilespmem:$0x18200] =	vst v63  }
0x65: {  	s30 =	simm.s32 $0x8A00;
	v3 =	vperm.xlane v3, v2  }
0x66: {  	[tilespmem:s30], [sflag:$0x3] =	stream.indirect_vreg.gather [hbm4b:s5+s3], $0x80, v4, vm0, $0xb8;
	[tilespmem:$0x18200] =	vst v63  }
0x67: {  	s31 =	simm.s32 $0x9200;
	v3 =	vadd.s32 v1, v3  }
0x68: {  	[tilespmem:s31], [sflag:$0x3] =	stream.indirect_vreg.gather [hbm4b:s6+s3], $0x80, v4, vm0, $0xb8;
	[tilespmem:$0x18200] =	vst v63  }
0x69: {  	s10 =	simm.s32 $0x9A00  }
0x6a: {  	[tilespmem:s10], [sflag:$0x3] =	stream.indirect_vreg.gather [hbm4b:s7+s3], $0x80, v4, vm0, $0xb8;
	[tilespmem:$0x18200] =	vst v63  }
0x6b: {  	s19 =	simm.s32 $0xA200  }
0x6c: {  	[tilespmem:s19], [sflag:$0x3] =	stream.indirect_vreg.gather [hbm4b:s1+s3], $0x80, v3, vm0, $0xb8;
	[tilespmem:$0x18200] =	vst v63  }
0x6d: {  	s20 =	simm.s32 $0xAA00  }
0x6e: {  	[tilespmem:s20], [sflag:$0x3] =	stream.indirect_vreg.gather [hbm4b:s5+s3], $0x80, v3, vm0, $0xb8;
	[tilespmem:$0x18200] =	vst v63  }
0x6f: {  	s28 =	simm.s32 $0xB200  }
0x70: {  	[tilespmem:s28], [sflag:$0x3] =	stream.indirect_vreg.gather [hbm4b:s6+s3], $0x80, v3, vm0, $0xb8;
	[tilespmem:$0x18200] =	vst v63  }
0x71: {  	s10 =	simm.s32 $0xBA00  }
0x72: {  	[tilespmem:s10], [sflag:$0x3] =	stream.indirect_vreg.gather [hbm4b:s7+s3], $0x80, v3, vm0, $0xb8;
	[tilespmem:$0x18200] =	vst v63  }
0x73: {  	v3 =	vld [tilespmem:$0x30];
	_ =	sdelay $0x4  }
0x74: {  	v35 =	vshll.u32 v3, $0x3  }
0x75: {  	v3 =	vand.u32 $0x7, v3;
	v4 =	vand.u32 $0xFFFFFFC0, v35  }
0x76: {  	v3 =	vor.u32 v3, v4  }
0x77: {  	v4 =	vperm.xlane v3, v0;
	_ =	sdelay $0x1  }
0x78: {  	v4 =	vadd.s32 v1, v4;
	_ =	sdelay $0x3  }
0x79: {  	s19 =	simm.s32 $0xC200  }
0x7a: {  	[tilespmem:s19], [sflag:$0x4] =	stream.indirect_vreg.gather [hbm4b:s1+s3], $0x80, v4, vm0, $0xb8;
	[tilespmem:$0x18200] =	vst v63  }
0x7b: {  	s20 =	simm.s32 $0xCA00;
	v3 =	vperm.xlane v3, v2  }
0x7c: {  	[tilespmem:s20], [sflag:$0x4] =	stream.indirect_vreg.gather [hbm4b:s5+s3], $0x80, v4, vm0, $0xb8;
	[tilespmem:$0x18200] =	vst v63  }
0x7d: {  	s4 =	simm.s32 $0xD200;
	v3 =	vadd.s32 v1, v3  }
0x7e: {  	[tilespmem:s4], [sflag:$0x4] =	stream.indirect_vreg.gather [hbm4b:s6+s3], $0x80, v4, vm0, $0xb8;
	[tilespmem:$0x18200] =	vst v63  }
0x7f: {  	s19 =	simm.s32 $0xDA00  }
0x80: {  	[tilespmem:s19], [sflag:$0x4] =	stream.indirect_vreg.gather [hbm4b:s7+s3], $0x80, v4, vm0, $0xb8;
	[tilespmem:$0x18200] =	vst v63  }
0x81: {  	s20 =	simm.s32 $0xE200  }
0x82: {  	[tilespmem:s20], [sflag:$0x4] =	stream.indirect_vreg.gather [hbm4b:s1+s3], $0x80, v3, vm0, $0xb8;
	[tilespmem:$0x18200] =	vst v63  }
0x83: {  	s4 =	simm.s32 $0xEA00  }
0x84: {  	[tilespmem:s4], [sflag:$0x4] =	stream.indirect_vreg.gather [hbm4b:s5+s3], $0x80, v3, vm0, $0xb8;
	[tilespmem:$0x18200] =	vst v63  }
0x85: {  	s19 =	simm.s32 $0xF200  }
0x86: {  	[tilespmem:s19], [sflag:$0x4] =	stream.indirect_vreg.gather [hbm4b:s6+s3], $0x80, v3, vm0, $0xb8;
	[tilespmem:$0x18200] =	vst v63  }
0x87: {  	s20 =	simm.s32 $0xFA00  }
0x88: {  	[tilespmem:s20], [sflag:$0x4] =	stream.indirect_vreg.gather [hbm4b:s7+s3], $0x80, v3, vm0, $0xb8;
	[tilespmem:$0x18200] =	vst v63  }
0x89: {  	v3 =	vld [tilespmem:$0x40];
	_ =	sdelay $0x4  }
0x8a: {  	v36 =	vshll.u32 v3, $0x3  }
0x8b: {  	v3 =	vand.u32 $0x7, v3;
	v4 =	vand.u32 $0xFFFFFFC0, v36  }
0x8c: {  	v3 =	vor.u32 v3, v4  }
0x8d: {  	v4 =	vperm.xlane v3, v0;
	_ =	sdelay $0x1  }
0x8e: {  	v4 =	vadd.s32 v1, v4;
	_ =	sdelay $0x3  }
0x8f: {  	s4 =	simm.s32 $0x10200  }
0x90: {  	[tilespmem:s4], [sflag:$0x5] =	stream.indirect_vreg.gather [hbm4b:s1+s3], $0x80, v4, vm0, $0xb8;
	[tilespmem:$0x18200] =	vst v63  }
0x91: {  	s19 =	simm.s32 $0x10A00;
	v3 =	vperm.xlane v3, v2  }
0x92: {  	[tilespmem:s19], [sflag:$0x5] =	stream.indirect_vreg.gather [hbm4b:s5+s3], $0x80, v4, vm0, $0xb8;
	[tilespmem:$0x18200] =	vst v63  }
0x93: {  	s20 =	simm.s32 $0x11200;
	v3 =	vadd.s32 v1, v3  }
0x94: {  	[tilespmem:s20], [sflag:$0x5] =	stream.indirect_vreg.gather [hbm4b:s6+s3], $0x80, v4, vm0, $0xb8;
	[tilespmem:$0x18200] =	vst v63  }
0x95: {  	s4 =	simm.s32 $0x11A00  }
0x96: {  	[tilespmem:s4], [sflag:$0x5] =	stream.indirect_vreg.gather [hbm4b:s7+s3], $0x80, v4, vm0, $0xb8;
	[tilespmem:$0x18200] =	vst v63  }
0x97: {  	s19 =	simm.s32 $0x12200  }
0x98: {  	[tilespmem:s19], [sflag:$0x5] =	stream.indirect_vreg.gather [hbm4b:s1+s3], $0x80, v3, vm0, $0xb8;
	[tilespmem:$0x18200] =	vst v63  }
0x99: {  	s20 =	simm.s32 $0x12A00  }
0x9a: {  	[tilespmem:s20], [sflag:$0x5] =	stream.indirect_vreg.gather [hbm4b:s5+s3], $0x80, v3, vm0, $0xb8;
	[tilespmem:$0x18200] =	vst v63  }
0x9b: {  	s4 =	simm.s32 $0x13200  }
0x9c: {  	[tilespmem:s4], [sflag:$0x5] =	stream.indirect_vreg.gather [hbm4b:s6+s3], $0x80, v3, vm0, $0xb8;
	[tilespmem:$0x18200] =	vst v63  }
0x9d: {  	s19 =	simm.s32 $0x13A00  }
0x9e: {  	[tilespmem:s19], [sflag:$0x5] =	stream.indirect_vreg.gather [hbm4b:s7+s3], $0x80, v3, vm0, $0xb8;
	[tilespmem:$0x18200] =	vst v63  }
0x9f: {  	v3 =	vld [tilespmem:$0x50];
	_ =	sdelay $0x4  }
0xa0: {  	v37 =	vshll.u32 v3, $0x3  }
0xa1: {  	v3 =	vand.u32 $0x7, v3;
	v4 =	vand.u32 $0xFFFFFFC0, v37  }
0xa2: {  	v3 =	vor.u32 v3, v4  }
0xa3: {  	v4 =	vperm.xlane v3, v0;
	_ =	sdelay $0x1  }
0xa4: {  	v4 =	vadd.s32 v1, v4;
	_ =	sdelay $0x3  }
0xa5: {  	s20 =	simm.s32 $0x14200  }
0xa6: {  	[tilespmem:s20], [sflag:$0x6] =	stream.indirect_vreg.gather [hbm4b:s1+s3], $0x80, v4, vm0, $0xb8;
	[tilespmem:$0x18200] =	vst v63  }
0xa7: {  	s10 =	simm.s32 $0x14A00;
	v3 =	vperm.xlane v3, v2  }
0xa8: {  	[tilespmem:s10], [sflag:$0x6] =	stream.indirect_vreg.gather [hbm4b:s5+s3], $0x80, v4, vm0, $0xb8;
	[tilespmem:$0x18200] =	vst v63  }
0xa9: {  	v3 =	vadd.s32 v1, v3;
	s20 =	simm.s32 $0x15200  }
0xaa: {  	[tilespmem:s20], [sflag:$0x6] =	stream.indirect_vreg.gather [hbm4b:s6+s3], $0x80, v4, vm0, $0xb8;
	[tilespmem:$0x18200] =	vst v63  }
0xab: {  	s4 =	simm.s32 $0x15A00  }
0xac: {  	[tilespmem:s4], [sflag:$0x6] =	stream.indirect_vreg.gather [hbm4b:s7+s3], $0x80, v4, vm0, $0xb8;
	[tilespmem:$0x18200] =	vst v63  }
0xad: {  	s20 =	simm.s32 $0x16200  }
0xae: {  	[tilespmem:s20], [sflag:$0x6] =	stream.indirect_vreg.gather [hbm4b:s1+s3], $0x80, v3, vm0, $0xb8;
	[tilespmem:$0x18200] =	vst v63  }
0xaf: {  	s4 =	simm.s32 $0x16A00  }
0xb0: {  	[tilespmem:s4], [sflag:$0x6] =	stream.indirect_vreg.gather [hbm4b:s5+s3], $0x80, v3, vm0, $0xb8;
	[tilespmem:$0x18200] =	vst v63  }
0xb1: {  	s20 =	simm.s32 $0x17200  }
0xb2: {  	[tilespmem:s20], [sflag:$0x6] =	stream.indirect_vreg.gather [hbm4b:s6+s3], $0x80, v3, vm0, $0xb8;
	[tilespmem:$0x18200] =	vst v63  }
0xb3: {  	s4 =	simm.s32 $0x17A00  }
0xb4: {  	[tilespmem:s4], [sflag:$0x6] =	stream.indirect_vreg.gather [hbm4b:s7+s3], $0x80, v3, vm0, $0xb8;
	[tilespmem:$0x18200] =	vst v63  }
0xb5: {  	_ =	swait.ge [sflag:s0], $0x4000  }
0xb6: {  	s20 =	sld [smem:$0x7FC]  }
0xb7: {  	[sflag:s0] =	ssyncset.done $0x0  }
0xb8: {  	s4 =	simm.s32 $0x200;
	[sflag:s0] =	ssyncadd.s32 $0xFFFFC000  }
0xb9: {  	[hbm4b:s20+s3] =	stream.linear.scatter [tilespmem:s4], [sflag:$0x7], $0x4000, $0x38;
	[tilespmem:$0x18200] =	vst v63  }
0xba: {  	_ =	swait.ge [sflag:s9], $0x4000  }
0xbb: {  	[sflag:s9] =	ssyncset.done $0x0  }
0xbc: {  	s20 =	simm.s32 $0x4200;
	s19 =	rddreg [dreg:$0x5];
	[sflag:s9] =	ssyncadd.s32 $0xFFFFC000  }
0xbd: {  	[hbm4b:s19+s3] =	stream.linear.scatter [tilespmem:s20], [sflag:$0x8], $0x4000, $0x38;
	[tilespmem:$0x18200] =	vst v63  }
0xbe: {  	_ =	swait.ge [sflag:s29], $0x4000  }
0xbf: {  	[sflag:s29] =	ssyncset.done $0x0  }
0xc0: {  	[sflag:s29] =	ssyncadd.s32 $0xFFFFC000  }
0xc1: {  	v3 =	vld [tilespmem:$0x60];
	_ =	sdelay $0x4  }
0xc2: {  	v38 =	vshll.u32 v3, $0x3  }
0xc3: {  	v3 =	vand.u32 $0x7, v3;
	v4 =	vand.u32 $0xFFFFFFC0, v38  }
0xc4: {  	v3 =	vor.u32 v3, v4  }
0xc5: {  	v4 =	vperm.xlane v3, v0;
	_ =	sdelay $0x1  }
0xc6: {  	v4 =	vadd.s32 v1, v4;
	_ =	sdelay $0x4  }
0xc7: {  	[tilespmem:s4], [sflag:$0x1] =	stream.indirect_vreg.gather [hbm4b:s1+s3], $0x80, v4, vm0, $0xb8;
	[tilespmem:$0x18200] =	vst v63  }
0xc8: {  	s25 =	simm.s32 $0xA00;
	v3 =	vperm.xlane v3, v2  }
0xc9: {  	[tilespmem:s25], [sflag:$0x1] =	stream.indirect_vreg.gather [hbm4b:s5+s3], $0x80, v4, vm0, $0xb8;
	[tilespmem:$0x18200] =	vst v63  }
0xca: {  	s24 =	simm.s32 $0x1200;
	v3 =	vadd.s32 v1, v3  }
0xcb: {  	[tilespmem:s24], [sflag:$0x1] =	stream.indirect_vreg.gather [hbm4b:s6+s3], $0x80, v4, vm0, $0xb8;
	[tilespmem:$0x18200] =	vst v63  }
0xcc: {  	s19 =	simm.s32 $0x1A00  }
0xcd: {  	[tilespmem:s19], [sflag:$0x1] =	stream.indirect_vreg.gather [hbm4b:s7+s3], $0x80, v4, vm0, $0xb8;
	[tilespmem:$0x18200] =	vst v63  }
0xce: {  	s8 =	simm.s32 $0x2200  }
0xcf: {  	[tilespmem:s8], [sflag:$0x1] =	stream.indirect_vreg.gather [hbm4b:s1+s3], $0x80, v3, vm0, $0xb8;
	[tilespmem:$0x18200] =	vst v63  }
0xd0: {  	s22 =	simm.s32 $0x2A00  }
0xd1: {  	[tilespmem:s22], [sflag:$0x1] =	stream.indirect_vreg.gather [hbm4b:s5+s3], $0x80, v3, vm0, $0xb8;
	[tilespmem:$0x18200] =	vst v63  }
0xd2: {  	s23 =	simm.s32 $0x3200  }
0xd3: {  	[tilespmem:s23], [sflag:$0x1] =	stream.indirect_vreg.gather [hbm4b:s6+s3], $0x80, v3, vm0, $0xb8;
	[tilespmem:$0x18200] =	vst v63  }
0xd4: {  	s21 =	simm.s32 $0x3A00  }
0xd5: {  	[tilespmem:s21], [sflag:$0x1] =	stream.indirect_vreg.gather [hbm4b:s7+s3], $0x80, v3, vm0, $0xb8;
	[tilespmem:$0x18200] =	vst v63  }
0xd6: {  	_ =	swait.ge [sflag:s26], $0x4000  }
0xd7: {  	[sflag:s26] =	ssyncset.done $0x0  }
0xd8: {  	s21 =	simm.s32 $0x8200;
	s23 =	rddreg [dreg:$0x6];
	[sflag:s26] =	ssyncadd.s32 $0xFFFFC000  }
0xd9: {  	[hbm4b:s23+s3] =	stream.linear.scatter [tilespmem:s21], [sflag:$0x9], $0x4000, $0x38;
	[tilespmem:$0x18200] =	vst v63  }
0xda: {  	_ =	swait.ge [sflag:s2], $0x4000  }
0xdb: {  	[sflag:s2] =	ssyncset.done $0x0  }
0xdc: {  	[sflag:s2] =	ssyncadd.s32 $0xFFFFC000  }
0xdd: {  	v3 =	vld [tilespmem:$0x70];
	_ =	sdelay $0x4  }
0xde: {  	v39 =	vshll.u32 v3, $0x3  }
0xdf: {  	v3 =	vand.u32 $0x7, v3;
	v4 =	vand.u32 $0xFFFFFFC0, v39  }
0xe0: {  	v3 =	vor.u32 v3, v4  }
0xe1: {  	v4 =	vperm.xlane v3, v0;
	_ =	sdelay $0x1  }
0xe2: {  	v4 =	vadd.s32 v1, v4;
	_ =	sdelay $0x4  }
0xe3: {  	[tilespmem:s20], [sflag:$0x2] =	stream.indirect_vreg.gather [hbm4b:s1+s3], $0x80, v4, vm0, $0xb8;
	[tilespmem:$0x18200] =	vst v63  }
0xe4: {  	s24 =	simm.s32 $0x4A00;
	v3 =	vperm.xlane v3, v2  }
0xe5: {  	[tilespmem:s24], [sflag:$0x2] =	stream.indirect_vreg.gather [hbm4b:s5+s3], $0x80, v4, vm0, $0xb8;
	[tilespmem:$0x18200] =	vst v63  }
0xe6: {  	s25 =	simm.s32 $0x5200;
	v3 =	vadd.s32 v1, v3  }
0xe7: {  	[tilespmem:s25], [sflag:$0x2] =	stream.indirect_vreg.gather [hbm4b:s6+s3], $0x80, v4, vm0, $0xb8;
	[tilespmem:$0x18200] =	vst v63  }
0xe8: {  	s8 =	simm.s32 $0x5A00  }
0xe9: {  	[tilespmem:s8], [sflag:$0x2] =	stream.indirect_vreg.gather [hbm4b:s7+s3], $0x80, v4, vm0, $0xb8;
	[tilespmem:$0x18200] =	vst v63  }
0xea: {  	s19 =	simm.s32 $0x6200  }
0xeb: {  	[tilespmem:s19], [sflag:$0x2] =	stream.indirect_vreg.gather [hbm4b:s1+s3], $0x80, v3, vm0, $0xb8;
	[tilespmem:$0x18200] =	vst v63  }
0xec: {  	s20 =	simm.s32 $0x6A00  }
0xed: {  	[tilespmem:s20], [sflag:$0x2] =	stream.indirect_vreg.gather [hbm4b:s5+s3], $0x80, v3, vm0, $0xb8;
	[tilespmem:$0x18200] =	vst v63  }
0xee: {  	s23 =	simm.s32 $0x7200  }
0xef: {  	[tilespmem:s23], [sflag:$0x2] =	stream.indirect_vreg.gather [hbm4b:s6+s3], $0x80, v3, vm0, $0xb8;
	[tilespmem:$0x18200] =	vst v63  }
0xf0: {  	s25 =	simm.s32 $0x7A00  }
0xf1: {  	[tilespmem:s25], [sflag:$0x2] =	stream.indirect_vreg.gather [hbm4b:s7+s3], $0x80, v3, vm0, $0xb8;
	[tilespmem:$0x18200] =	vst v63  }
0xf2: {  	_ =	swait.ge [sflag:s11], $0x4000  }
0xf3: {  	[sflag:s11] =	ssyncset.done $0x0  }
0xf4: {  	s8 =	simm.s32 $0xC200;
	s4 =	rddreg [dreg:$0x7];
	[sflag:s11] =	ssyncadd.s32 $0xFFFFC000  }
0xf5: {  	[hbm4b:s4+s3] =	stream.linear.scatter [tilespmem:s8], [sflag:$0xA], $0x4000, $0x38;
	[tilespmem:$0x18200] =	vst v63  }
0xf6: {  	_ =	swait.ge [sflag:s12], $0x4000  }
0xf7: {  	[sflag:s12] =	ssyncset.done $0x0  }
0xf8: {  	[sflag:s12] =	ssyncadd.s32 $0xFFFFC000  }
0xf9: {  	v3 =	vld [tilespmem:$0x80];
	_ =	sdelay $0x4  }
0xfa: {  	v40 =	vshll.u32 v3, $0x3  }
0xfb: {  	v3 =	vand.u32 $0x7, v3;
	v4 =	vand.u32 $0xFFFFFFC0, v40  }
0xfc: {  	v3 =	vor.u32 v3, v4  }
0xfd: {  	v4 =	vperm.xlane v3, v0;
	_ =	sdelay $0x1  }
0xfe: {  	v4 =	vadd.s32 v1, v4;
	_ =	sdelay $0x4  }
0xff: {  	[tilespmem:s21], [sflag:$0x3] =	stream.indirect_vreg.gather [hbm4b:s1+s3], $0x80, v4, vm0, $0xb8;
	[tilespmem:$0x18200] =	vst v63  }
0x100: {  	s18 =	simm.s32 $0x8A00;
	v3 =	vperm.xlane v3, v2  }
0x101: {  	[tilespmem:s18], [sflag:$0x3] =	stream.indirect_vreg.gather [hbm4b:s5+s3], $0x80, v4, vm0, $0xb8;
	[tilespmem:$0x18200] =	vst v63  }
0x102: {  	v3 =	vadd.s32 v1, v3;
	s18 =	simm.s32 $0x9200  }
0x103: {  	[tilespmem:s18], [sflag:$0x3] =	stream.indirect_vreg.gather [hbm4b:s6+s3], $0x80, v4, vm0, $0xb8;
	[tilespmem:$0x18200] =	vst v63  }
0x104: {  	s30 =	simm.s32 $0x9A00  }
0x105: {  	[tilespmem:s30], [sflag:$0x3] =	stream.indirect_vreg.gather [hbm4b:s7+s3], $0x80, v4, vm0, $0xb8;
	[tilespmem:$0x18200] =	vst v63  }
0x106: {  	s19 =	simm.s32 $0xA200  }
0x107: {  	[tilespmem:s19], [sflag:$0x3] =	stream.indirect_vreg.gather [hbm4b:s1+s3], $0x80, v3, vm0, $0xb8;
	[tilespmem:$0x18200] =	vst v63  }
0x108: {  	s31 =	simm.s32 $0xAA00  }
0x109: {  	[tilespmem:s31], [sflag:$0x3] =	stream.indirect_vreg.gather [hbm4b:s5+s3], $0x80, v3, vm0, $0xb8;
	[tilespmem:$0x18200] =	vst v63  }
0x10a: {  	s20 =	simm.s32 $0xB200  }
0x10b: {  	[tilespmem:s20], [sflag:$0x3] =	stream.indirect_vreg.gather [hbm4b:s6+s3], $0x80, v3, vm0, $0xb8;
	[tilespmem:$0x18200] =	vst v63  }
0x10c: {  	s28 =	simm.s32 $0xBA00  }
0x10d: {  	[tilespmem:s28], [sflag:$0x3] =	stream.indirect_vreg.gather [hbm4b:s7+s3], $0x80, v3, vm0, $0xb8;
	[tilespmem:$0x18200] =	vst v63  }
0x10e: {  	_ =	swait.ge [sflag:s13], $0x4000  }
0x10f: {  	[sflag:s13] =	ssyncset.done $0x0  }
0x110: {  	s25 =	simm.s32 $0x10200;
	s21 =	rddreg [dreg:$0x8];
	[sflag:s13] =	ssyncadd.s32 $0xFFFFC000  }
0x111: {  	[hbm4b:s21+s3] =	stream.linear.scatter [tilespmem:s25], [sflag:$0xB], $0x4000, $0x38;
	[tilespmem:$0x18200] =	vst v63  }
0x112: {  	_ =	swait.ge [sflag:s14], $0x4000  }
0x113: {  	[sflag:s14] =	ssyncset.done $0x0  }
0x114: {  	[sflag:s14] =	ssyncadd.s32 $0xFFFFC000  }
0x115: {  	v3 =	vld [tilespmem:$0x90];
	_ =	sdelay $0x4  }
0x116: {  	v41 =	vshll.u32 v3, $0x3  }
0x117: {  	v3 =	vand.u32 $0x7, v3;
	v4 =	vand.u32 $0xFFFFFFC0, v41  }
0x118: {  	v3 =	vor.u32 v3, v4  }
0x119: {  	v4 =	vperm.xlane v3, v0;
	_ =	sdelay $0x1  }
0x11a: {  	v4 =	vadd.s32 v1, v4;
	_ =	sdelay $0x4  }
0x11b: {  	[tilespmem:s8], [sflag:$0x4] =	stream.indirect_vreg.gather [hbm4b:s1+s3], $0x80, v4, vm0, $0xb8;
	[tilespmem:$0x18200] =	vst v63  }
0x11c: {  	s28 =	simm.s32 $0xCA00;
	v3 =	vperm.xlane v3, v2  }
0x11d: {  	[tilespmem:s28], [sflag:$0x4] =	stream.indirect_vreg.gather [hbm4b:s5+s3], $0x80, v4, vm0, $0xb8;
	[tilespmem:$0x18200] =	vst v63  }
0x11e: {  	s30 =	simm.s32 $0xD200;
	v3 =	vadd.s32 v1, v3  }
0x11f: {  	[tilespmem:s30], [sflag:$0x4] =	stream.indirect_vreg.gather [hbm4b:s6+s3], $0x80, v4, vm0, $0xb8;
	[tilespmem:$0x18200] =	vst v63  }
0x120: {  	s28 =	simm.s32 $0xDA00  }
0x121: {  	[tilespmem:s28], [sflag:$0x4] =	stream.indirect_vreg.gather [hbm4b:s7+s3], $0x80, v4, vm0, $0xb8;
	[tilespmem:$0x18200] =	vst v63  }
0x122: {  	s20 =	simm.s32 $0xE200  }
0x123: {  	[tilespmem:s20], [sflag:$0x4] =	stream.indirect_vreg.gather [hbm4b:s1+s3], $0x80, v3, vm0, $0xb8;
	[tilespmem:$0x18200] =	vst v63  }
0x124: {  	s30 =	simm.s32 $0xEA00  }
0x125: {  	[tilespmem:s30], [sflag:$0x4] =	stream.indirect_vreg.gather [hbm4b:s5+s3], $0x80, v3, vm0, $0xb8;
	[tilespmem:$0x18200] =	vst v63  }
0x126: {  	s4 =	simm.s32 $0xF200  }
0x127: {  	[tilespmem:s4], [sflag:$0x4] =	stream.indirect_vreg.gather [hbm4b:s6+s3], $0x80, v3, vm0, $0xb8;
	[tilespmem:$0x18200] =	vst v63  }
0x128: {  	s31 =	simm.s32 $0xFA00  }
0x129: {  	[tilespmem:s31], [sflag:$0x4] =	stream.indirect_vreg.gather [hbm4b:s7+s3], $0x80, v3, vm0, $0xb8;
	[tilespmem:$0x18200] =	vst v63  }
0x12a: {  	_ =	swait.ge [sflag:s15], $0x4000  }
0x12b: {  	[sflag:s15] =	ssyncset.done $0x0  }
0x12c: {  	s18 =	simm.s32 $0x14200;
	s8 =	rddreg [dreg:$0x9];
	[sflag:s15] =	ssyncadd.s32 $0xFFFFC000  }
0x12d: {  	[hbm4b:s8+s3] =	stream.linear.scatter [tilespmem:s18], [sflag:$0xC], $0x4000, $0x38;
	[tilespmem:$0x18200] =	vst v63  }
0x12e: {  	_ =	swait.ge [sflag:s16], $0x4000  }
0x12f: {  	[sflag:s16] =	ssyncset.done $0x0  }
0x130: {  	[sflag:s16] =	ssyncadd.s32 $0xFFFFC000  }
0x131: {  	v3 =	vld [tilespmem:$0xA0];
	_ =	sdelay $0x4  }
0x132: {  	v42 =	vshll.u32 v3, $0x3  }
0x133: {  	v3 =	vand.u32 $0x7, v3;
	v4 =	vand.u32 $0xFFFFFFC0, v42  }
0x134: {  	v3 =	vor.u32 v3, v4  }
0x135: {  	v4 =	vperm.xlane v3, v0;
	_ =	sdelay $0x1  }
0x136: {  	v4 =	vadd.s32 v1, v4;
	_ =	sdelay $0x4  }
0x137: {  	[tilespmem:s25], [sflag:$0x5] =	stream.indirect_vreg.gather [hbm4b:s1+s3], $0x80, v4, vm0, $0xb8;
	[tilespmem:$0x18200] =	vst v63  }
0x138: {  	s21 =	simm.s32 $0x10A00;
	v3 =	vperm.xlane v3, v2  }
0x139: {  	[tilespmem:s21], [sflag:$0x5] =	stream.indirect_vreg.gather [hbm4b:s5+s3], $0x80, v4, vm0, $0xb8;
	[tilespmem:$0x18200] =	vst v63  }
0x13a: {  	v3 =	vadd.s32 v1, v3;
	s25 =	simm.s32 $0x11200  }
0x13b: {  	[tilespmem:s25], [sflag:$0x5] =	stream.indirect_vreg.gather [hbm4b:s6+s3], $0x80, v4, vm0, $0xb8;
	[tilespmem:$0x18200] =	vst v63  }
0x13c: {  	s31 =	simm.s32 $0x11A00  }
0x13d: {  	[tilespmem:s31], [sflag:$0x5] =	stream.indirect_vreg.gather [hbm4b:s7+s3], $0x80, v4, vm0, $0xb8;
	[tilespmem:$0x18200] =	vst v63  }
0x13e: {  	s19 =	simm.s32 $0x12200  }
0x13f: {  	[tilespmem:s19], [sflag:$0x5] =	stream.indirect_vreg.gather [hbm4b:s1+s3], $0x80, v3, vm0, $0xb8;
	[tilespmem:$0x18200] =	vst v63  }
0x140: {  	s25 =	simm.s32 $0x12A00  }
0x141: {  	[tilespmem:s25], [sflag:$0x5] =	stream.indirect_vreg.gather [hbm4b:s5+s3], $0x80, v3, vm0, $0xb8;
	[tilespmem:$0x18200] =	vst v63  }
0x142: {  	s25 =	simm.s32 $0x13200  }
0x143: {  	[tilespmem:s25], [sflag:$0x5] =	stream.indirect_vreg.gather [hbm4b:s6+s3], $0x80, v3, vm0, $0xb8;
	[tilespmem:$0x18200] =	vst v63  }
0x144: {  	s31 =	simm.s32 $0x13A00  }
0x145: {  	[tilespmem:s31], [sflag:$0x5] =	stream.indirect_vreg.gather [hbm4b:s7+s3], $0x80, v3, vm0, $0xb8;
	[tilespmem:$0x18200] =	vst v63  }
0x146: {  	_ =	swait.ge [sflag:s0], $0x4000  }
0x147: {  	[sflag:s0] =	ssyncset.done $0x0  }
0x148: {  	s31 =	simm.s32 $0x200;
	s8 =	rddreg [dreg:$0xa];
	[sflag:s0] =	ssyncadd.s32 $0xFFFFC000  }
0x149: {  	[hbm4b:s8+s3] =	stream.linear.scatter [tilespmem:s31], [sflag:$0x7], $0x4000, $0x38;
	[tilespmem:$0x18200] =	vst v63  }
0x14a: {  	_ =	swait.ge [sflag:s17], $0x4000  }
0x14b: {  	[sflag:s17] =	ssyncset.done $0x0  }
0x14c: {  	[sflag:s17] =	ssyncadd.s32 $0xFFFFC000  }
0x14d: {  	v3 =	vld [tilespmem:$0xB0];
	_ =	sdelay $0x4  }
0x14e: {  	v43 =	vshll.u32 v3, $0x3  }
0x14f: {  	v3 =	vand.u32 $0x7, v3;
	v4 =	vand.u32 $0xFFFFFFC0, v43  }
0x150: {  	v3 =	vor.u32 v3, v4  }
0x151: {  	v4 =	vperm.xlane v3, v0;
	_ =	sdelay $0x1  }
0x152: {  	v4 =	vadd.s32 v1, v4;
	_ =	sdelay $0x4  }
0x153: {  	[tilespmem:s18], [sflag:$0x6] =	stream.indirect_vreg.gather [hbm4b:s1+s3], $0x80, v4, vm0, $0xb8;
	[tilespmem:$0x18200] =	vst v63  }
0x154: {  	s19 =	simm.s32 $0x14A00;
	v3 =	vperm.xlane v3, v2  }
0x155: {  	[tilespmem:s19], [sflag:$0x6] =	stream.indirect_vreg.gather [hbm4b:s5+s3], $0x80, v4, vm0, $0xb8;
	[tilespmem:$0x18200] =	vst v63  }
0x156: {  	s10 =	simm.s32 $0x15200;
	v3 =	vadd.s32 v1, v3  }
0x157: {  	[tilespmem:s10], [sflag:$0x6] =	stream.indirect_vreg.gather [hbm4b:s6+s3], $0x80, v4, vm0, $0xb8;
	[tilespmem:$0x18200] =	vst v63  }
0x158: {  	s18 =	simm.s32 $0x15A00  }
0x159: {  	[tilespmem:s18], [sflag:$0x6] =	stream.indirect_vreg.gather [hbm4b:s7+s3], $0x80, v4, vm0, $0xb8;
	[tilespmem:$0x18200] =	vst v63  }
0x15a: {  	s19 =	simm.s32 $0x16200  }
0x15b: {  	[tilespmem:s19], [sflag:$0x6] =	stream.indirect_vreg.gather [hbm4b:s1+s3], $0x80, v3, vm0, $0xb8;
	[tilespmem:$0x18200] =	vst v63  }
0x15c: {  	s10 =	simm.s32 $0x16A00  }
0x15d: {  	[tilespmem:s10], [sflag:$0x6] =	stream.indirect_vreg.gather [hbm4b:s5+s3], $0x80, v3, vm0, $0xb8;
	[tilespmem:$0x18200] =	vst v63  }
0x15e: {  	s18 =	simm.s32 $0x17200  }
0x15f: {  	[tilespmem:s18], [sflag:$0x6] =	stream.indirect_vreg.gather [hbm4b:s6+s3], $0x80, v3, vm0, $0xb8;
	[tilespmem:$0x18200] =	vst v63  }
0x160: {  	s19 =	simm.s32 $0x17A00  }
0x161: {  	[tilespmem:s19], [sflag:$0x6] =	stream.indirect_vreg.gather [hbm4b:s7+s3], $0x80, v3, vm0, $0xb8;
	[tilespmem:$0x18200] =	vst v63  }
0x162: {  	_ =	swait.ge [sflag:s9], $0x4000  }
0x163: {  	[sflag:s9] =	ssyncset.done $0x0  }
0x164: {  	s18 =	simm.s32 $0x4200;
	s10 =	rddreg [dreg:$0xb];
	[sflag:s9] =	ssyncadd.s32 $0xFFFFC000  }
0x165: {  	[hbm4b:s10+s3] =	stream.linear.scatter [tilespmem:s18], [sflag:$0x8], $0x4000, $0x38;
	[tilespmem:$0x18200] =	vst v63  }
0x166: {  	_ =	swait.ge [sflag:s29], $0x4000  }
0x167: {  	[sflag:s29] =	ssyncset.done $0x0  }
0x168: {  	[sflag:s29] =	ssyncadd.s32 $0xFFFFC000  }
0x169: {  	v3 =	vld [tilespmem:$0xC0];
	_ =	sdelay $0x4  }
0x16a: {  	v44 =	vshll.u32 v3, $0x3  }
0x16b: {  	v3 =	vand.u32 $0x7, v3;
	v4 =	vand.u32 $0xFFFFFFC0, v44  }
0x16c: {  	v3 =	vor.u32 v3, v4  }
0x16d: {  	v4 =	vperm.xlane v3, v0;
	_ =	sdelay $0x1  }
0x16e: {  	v4 =	vadd.s32 v1, v4;
	_ =	sdelay $0x4  }
0x16f: {  	[tilespmem:s31], [sflag:$0x1] =	stream.indirect_vreg.gather [hbm4b:s1+s3], $0x80, v4, vm0, $0xb8;
	[tilespmem:$0x18200] =	vst v63  }
0x170: {  	v3 =	vperm.xlane v3, v2;
	s31 =	simm.s32 $0xA00  }
0x171: {  	[tilespmem:s31], [sflag:$0x1] =	stream.indirect_vreg.gather [hbm4b:s5+s3], $0x80, v4, vm0, $0xb8;
	[tilespmem:$0x18200] =	vst v63  }
0x172: {  	s10 =	simm.s32 $0x1200;
	v3 =	vadd.s32 v1, v3  }
0x173: {  	[tilespmem:s10], [sflag:$0x1] =	stream.indirect_vreg.gather [hbm4b:s6+s3], $0x80, v4, vm0, $0xb8;
	[tilespmem:$0x18200] =	vst v63  }
0x174: {  	s19 =	simm.s32 $0x1A00  }
0x175: {  	[tilespmem:s19], [sflag:$0x1] =	stream.indirect_vreg.gather [hbm4b:s7+s3], $0x80, v4, vm0, $0xb8;
	[tilespmem:$0x18200] =	vst v63  }
0x176: {  	s31 =	simm.s32 $0x2200  }
0x177: {  	[tilespmem:s31], [sflag:$0x1] =	stream.indirect_vreg.gather [hbm4b:s1+s3], $0x80, v3, vm0, $0xb8;
	[tilespmem:$0x18200] =	vst v63  }
0x178: {  	s10 =	simm.s32 $0x2A00  }
0x179: {  	[tilespmem:s10], [sflag:$0x1] =	stream.indirect_vreg.gather [hbm4b:s5+s3], $0x80, v3, vm0, $0xb8;
	[tilespmem:$0x18200] =	vst v63  }
0x17a: {  	s19 =	simm.s32 $0x3200  }
0x17b: {  	[tilespmem:s19], [sflag:$0x1] =	stream.indirect_vreg.gather [hbm4b:s6+s3], $0x80, v3, vm0, $0xb8;
	[tilespmem:$0x18200] =	vst v63  }
0x17c: {  	s31 =	simm.s32 $0x3A00  }
0x17d: {  	[tilespmem:s31], [sflag:$0x1] =	stream.indirect_vreg.gather [hbm4b:s7+s3], $0x80, v3, vm0, $0xb8;
	[tilespmem:$0x18200] =	vst v63  }
0x17e: {  	_ =	swait.ge [sflag:s26], $0x4000  }
0x17f: {  	[sflag:s26] =	ssyncset.done $0x0  }
0x180: {  	s31 =	simm.s32 $0x8200;
	s10 =	rddreg [dreg:$0xc];
	[sflag:s26] =	ssyncadd.s32 $0xFFFFC000  }
0x181: {  	[hbm4b:s10+s3] =	stream.linear.scatter [tilespmem:s31], [sflag:$0x9], $0x4000, $0x38;
	[tilespmem:$0x18200] =	vst v63  }
0x182: {  	_ =	swait.ge [sflag:s2], $0x4000  }
0x183: {  	[sflag:s2] =	ssyncset.done $0x0  }
0x184: {  	[sflag:s2] =	ssyncadd.s32 $0xFFFFC000  }
0x185: {  	v3 =	vld [tilespmem:$0xD0];
	_ =	sdelay $0x4  }
0x186: {  	v45 =	vshll.u32 v3, $0x3  }
0x187: {  	v3 =	vand.u32 $0x7, v3;
	v4 =	vand.u32 $0xFFFFFFC0, v45  }
0x188: {  	v3 =	vor.u32 v3, v4  }
0x189: {  	v4 =	vperm.xlane v3, v0;
	_ =	sdelay $0x1  }
0x18a: {  	v4 =	vadd.s32 v1, v4;
	_ =	sdelay $0x4  }
0x18b: {  	[tilespmem:s18], [sflag:$0x2] =	stream.indirect_vreg.gather [hbm4b:s1+s3], $0x80, v4, vm0, $0xb8;
	[tilespmem:$0x18200] =	vst v63  }
0x18c: {  	s19 =	simm.s32 $0x4A00;
	v3 =	vperm.xlane v3, v2  }
0x18d: {  	[tilespmem:s19], [sflag:$0x2] =	stream.indirect_vreg.gather [hbm4b:s5+s3], $0x80, v4, vm0, $0xb8;
	[tilespmem:$0x18200] =	vst v63  }
0x18e: {  	s22 =	simm.s32 $0x5200;
	v3 =	vadd.s32 v1, v3  }
0x18f: {  	[tilespmem:s22], [sflag:$0x2] =	stream.indirect_vreg.gather [hbm4b:s6+s3], $0x80, v4, vm0, $0xb8;
	[tilespmem:$0x18200] =	vst v63  }
0x190: {  	s24 =	simm.s32 $0x5A00  }
0x191: {  	[tilespmem:s24], [sflag:$0x2] =	stream.indirect_vreg.gather [hbm4b:s7+s3], $0x80, v4, vm0, $0xb8;
	[tilespmem:$0x18200] =	vst v63  }
0x192: {  	s10 =	simm.s32 $0x6200  }
0x193: {  	[tilespmem:s10], [sflag:$0x2] =	stream.indirect_vreg.gather [hbm4b:s1+s3], $0x80, v3, vm0, $0xb8;
	[tilespmem:$0x18200] =	vst v63  }
0x194: {  	s18 =	simm.s32 $0x6A00  }
0x195: {  	[tilespmem:s18], [sflag:$0x2] =	stream.indirect_vreg.gather [hbm4b:s5+s3], $0x80, v3, vm0, $0xb8;
	[tilespmem:$0x18200] =	vst v63  }
0x196: {  	s19 =	simm.s32 $0x7200  }
0x197: {  	[tilespmem:s19], [sflag:$0x2] =	stream.indirect_vreg.gather [hbm4b:s6+s3], $0x80, v3, vm0, $0xb8;
	[tilespmem:$0x18200] =	vst v63  }
0x198: {  	s22 =	simm.s32 $0x7A00  }
0x199: {  	[tilespmem:s22], [sflag:$0x2] =	stream.indirect_vreg.gather [hbm4b:s7+s3], $0x80, v3, vm0, $0xb8;
	[tilespmem:$0x18200] =	vst v63  }
0x19a: {  	_ =	swait.ge [sflag:s11], $0x4000  }
0x19b: {  	[sflag:s11] =	ssyncset.done $0x0  }
0x19c: {  	s22 =	simm.s32 $0xC200;
	s24 =	rddreg [dreg:$0xd];
	[sflag:s11] =	ssyncadd.s32 $0xFFFFC000  }
0x19d: {  	[hbm4b:s24+s3] =	stream.linear.scatter [tilespmem:s22], [sflag:$0xA], $0x4000, $0x38;
	[tilespmem:$0x18200] =	vst v63  }
0x19e: {  	_ =	swait.ge [sflag:s12], $0x4000  }
0x19f: {  	[sflag:s12] =	ssyncset.done $0x0  }
0x1a0: {  	[sflag:s12] =	ssyncadd.s32 $0xFFFFC000  }
0x1a1: {  	v3 =	vld [tilespmem:$0xE0];
	_ =	sdelay $0x4  }
0x1a2: {  	v46 =	vshll.u32 v3, $0x3  }
0x1a3: {  	v3 =	vand.u32 $0x7, v3;
	v4 =	vand.u32 $0xFFFFFFC0, v46  }
0x1a4: {  	v3 =	vor.u32 v3, v4  }
0x1a5: {  	v4 =	vperm.xlane v3, v0;
	_ =	sdelay $0x1  }
0x1a6: {  	v4 =	vadd.s32 v1, v4;
	_ =	sdelay $0x4  }
0x1a7: {  	[tilespmem:s31], [sflag:$0x3] =	stream.indirect_vreg.gather [hbm4b:s1+s3], $0x80, v4, vm0, $0xb8;
	[tilespmem:$0x18200] =	vst v63  }
0x1a8: {  	v3 =	vperm.xlane v3, v2;
	s31 =	simm.s32 $0x8A00  }
0x1a9: {  	[tilespmem:s31], [sflag:$0x3] =	stream.indirect_vreg.gather [hbm4b:s5+s3], $0x80, v4, vm0, $0xb8;
	[tilespmem:$0x18200] =	vst v63  }
0x1aa: {  	s23 =	simm.s32 $0x9200;
	v3 =	vadd.s32 v1, v3  }
0x1ab: {  	[tilespmem:s23], [sflag:$0x3] =	stream.indirect_vreg.gather [hbm4b:s6+s3], $0x80, v4, vm0, $0xb8;
	[tilespmem:$0x18200] =	vst v63  }
0x1ac: {  	s24 =	simm.s32 $0x9A00  }
0x1ad: {  	[tilespmem:s24], [sflag:$0x3] =	stream.indirect_vreg.gather [hbm4b:s7+s3], $0x80, v4, vm0, $0xb8;
	[tilespmem:$0x18200] =	vst v63  }
0x1ae: {  	s18 =	simm.s32 $0xA200  }
0x1af: {  	[tilespmem:s18], [sflag:$0x3] =	stream.indirect_vreg.gather [hbm4b:s1+s3], $0x80, v3, vm0, $0xb8;
	[tilespmem:$0x18200] =	vst v63  }
0x1b0: {  	s31 =	simm.s32 $0xAA00  }
0x1b1: {  	[tilespmem:s31], [sflag:$0x3] =	stream.indirect_vreg.gather [hbm4b:s5+s3], $0x80, v3, vm0, $0xb8;
	[tilespmem:$0x18200] =	vst v63  }
0x1b2: {  	s19 =	simm.s32 $0xB200  }
0x1b3: {  	[tilespmem:s19], [sflag:$0x3] =	stream.indirect_vreg.gather [hbm4b:s6+s3], $0x80, v3, vm0, $0xb8;
	[tilespmem:$0x18200] =	vst v63  }
0x1b4: {  	s23 =	simm.s32 $0xBA00  }
0x1b5: {  	[tilespmem:s23], [sflag:$0x3] =	stream.indirect_vreg.gather [hbm4b:s7+s3], $0x80, v3, vm0, $0xb8;
	[tilespmem:$0x18200] =	vst v63  }
0x1b6: {  	_ =	swait.ge [sflag:s13], $0x4000  }
0x1b7: {  	[sflag:s13] =	ssyncset.done $0x0  }
0x1b8: {  	s23 =	simm.s32 $0x10200;
	s8 =	rddreg [dreg:$0xe];
	[sflag:s13] =	ssyncadd.s32 $0xFFFFC000  }
0x1b9: {  	[hbm4b:s8+s3] =	stream.linear.scatter [tilespmem:s23], [sflag:$0xB], $0x4000, $0x38;
	[tilespmem:$0x18200] =	vst v63  }
0x1ba: {  	_ =	swait.ge [sflag:s14], $0x4000  }
0x1bb: {  	[sflag:s14] =	ssyncset.done $0x0  }
0x1bc: {  	[sflag:s14] =	ssyncadd.s32 $0xFFFFC000  }
0x1bd: {  	v3 =	vld [tilespmem:$0xF0];
	_ =	sdelay $0x4  }
0x1be: {  	v47 =	vshll.u32 v3, $0x3  }
0x1bf: {  	v3 =	vand.u32 $0x7, v3;
	v4 =	vand.u32 $0xFFFFFFC0, v47  }
0x1c0: {  	v3 =	vor.u32 v3, v4  }
0x1c1: {  	v4 =	vperm.xlane v3, v0;
	_ =	sdelay $0x1  }
0x1c2: {  	v4 =	vadd.s32 v1, v4;
	_ =	sdelay $0x4  }
0x1c3: {  	[tilespmem:s22], [sflag:$0x4] =	stream.indirect_vreg.gather [hbm4b:s1+s3], $0x80, v4, vm0, $0xb8;
	[tilespmem:$0x18200] =	vst v63  }
0x1c4: {  	s18 =	simm.s32 $0xCA00;
	v3 =	vperm.xlane v3, v2  }
0x1c5: {  	[tilespmem:s18], [sflag:$0x4] =	stream.indirect_vreg.gather [hbm4b:s5+s3], $0x80, v4, vm0, $0xb8;
	[tilespmem:$0x18200] =	vst v63  }
0x1c6: {  	v3 =	vadd.s32 v1, v3;
	s22 =	simm.s32 $0xD200  }
0x1c7: {  	[tilespmem:s22], [sflag:$0x4] =	stream.indirect_vreg.gather [hbm4b:s6+s3], $0x80, v4, vm0, $0xb8;
	[tilespmem:$0x18200] =	vst v63  }
0x1c8: {  	_ = 	snop  }
0x1c9: {  	[tilespmem:s28], [sflag:$0x4] =	stream.indirect_vreg.gather [hbm4b:s7+s3], $0x80, v4, vm0, $0xb8;
	[tilespmem:$0x18200] =	vst v63  }
0x1ca: {  	_ = 	snop  }
0x1cb: {  	[tilespmem:s20], [sflag:$0x4] =	stream.indirect_vreg.gather [hbm4b:s1+s3], $0x80, v3, vm0, $0xb8;
	[tilespmem:$0x18200] =	vst v63  }
0x1cc: {  	_ = 	snop  }
0x1cd: {  	[tilespmem:s30], [sflag:$0x4] =	stream.indirect_vreg.gather [hbm4b:s5+s3], $0x80, v3, vm0, $0xb8;
	[tilespmem:$0x18200] =	vst v63  }
0x1ce: {  	_ = 	snop  }
0x1cf: {  	[tilespmem:s4], [sflag:$0x4] =	stream.indirect_vreg.gather [hbm4b:s6+s3], $0x80, v3, vm0, $0xb8;
	[tilespmem:$0x18200] =	vst v63  }
0x1d0: {  	s22 =	simm.s32 $0xFA00  }
0x1d1: {  	[tilespmem:s22], [sflag:$0x4] =	stream.indirect_vreg.gather [hbm4b:s7+s3], $0x80, v3, vm0, $0xb8;
	[tilespmem:$0x18200] =	vst v63  }
0x1d2: {  	_ =	swait.ge [sflag:s15], $0x4000  }
0x1d3: {  	[sflag:s15] =	ssyncset.done $0x0  }
0x1d4: {  	s4 =	simm.s32 $0x14200;
	s18 =	rddreg [dreg:$0xf];
	[sflag:s15] =	ssyncadd.s32 $0xFFFFC000  }
0x1d5: {  	[hbm4b:s18+s3] =	stream.linear.scatter [tilespmem:s4], [sflag:$0xC], $0x4000, $0x38;
	[tilespmem:$0x18200] =	vst v63  }
0x1d6: {  	_ =	swait.ge [sflag:s16], $0x4000  }
0x1d7: {  	[sflag:s16] =	ssyncset.done $0x0  }
0x1d8: {  	[sflag:s16] =	ssyncadd.s32 $0xFFFFC000  }
0x1d9: {  	v3 =	vld [tilespmem:$0x100];
	_ =	sdelay $0x4  }
0x1da: {  	v48 =	vshll.u32 v3, $0x3  }
0x1db: {  	v3 =	vand.u32 $0x7, v3;
	v4 =	vand.u32 $0xFFFFFFC0, v48  }
0x1dc: {  	v3 =	vor.u32 v3, v4  }
0x1dd: {  	v4 =	vperm.xlane v3, v0;
	_ =	sdelay $0x1  }
0x1de: {  	v4 =	vadd.s32 v1, v4;
	_ =	sdelay $0x4  }
0x1df: {  	[tilespmem:s23], [sflag:$0x5] =	stream.indirect_vreg.gather [hbm4b:s1+s3], $0x80, v4, vm0, $0xb8;
	[tilespmem:$0x18200] =	vst v63  }
0x1e0: {  	v3 =	vperm.xlane v3, v2  }
0x1e1: {  	[tilespmem:s21], [sflag:$0x5] =	stream.indirect_vreg.gather [hbm4b:s5+s3], $0x80, v4, vm0, $0xb8;
	[tilespmem:$0x18200] =	vst v63  }
0x1e2: {  	s20 =	simm.s32 $0x11200;
	v3 =	vadd.s32 v1, v3  }
0x1e3: {  	[tilespmem:s20], [sflag:$0x5] =	stream.indirect_vreg.gather [hbm4b:s6+s3], $0x80, v4, vm0, $0xb8;
	[tilespmem:$0x18200] =	vst v63  }
0x1e4: {  	s21 =	simm.s32 $0x11A00  }
0x1e5: {  	[tilespmem:s21], [sflag:$0x5] =	stream.indirect_vreg.gather [hbm4b:s7+s3], $0x80, v4, vm0, $0xb8;
	[tilespmem:$0x18200] =	vst v63  }
0x1e6: {  	s23 =	simm.s32 $0x12200  }
0x1e7: {  	[tilespmem:s23], [sflag:$0x5] =	stream.indirect_vreg.gather [hbm4b:s1+s3], $0x80, v3, vm0, $0xb8;
	[tilespmem:$0x18200] =	vst v63  }
0x1e8: {  	s28 =	simm.s32 $0x12A00  }
0x1e9: {  	[tilespmem:s28], [sflag:$0x5] =	stream.indirect_vreg.gather [hbm4b:s5+s3], $0x80, v3, vm0, $0xb8;
	[tilespmem:$0x18200] =	vst v63  }
0x1ea: {  	_ = 	snop  }
0x1eb: {  	[tilespmem:s25], [sflag:$0x5] =	stream.indirect_vreg.gather [hbm4b:s6+s3], $0x80, v3, vm0, $0xb8;
	[tilespmem:$0x18200] =	vst v63  }
0x1ec: {  	s23 =	simm.s32 $0x13A00  }
0x1ed: {  	[tilespmem:s23], [sflag:$0x5] =	stream.indirect_vreg.gather [hbm4b:s7+s3], $0x80, v3, vm0, $0xb8;
	[tilespmem:$0x18200] =	vst v63  }
0x1ee: {  	_ =	swait.ge [sflag:s0], $0x4000  }
0x1ef: {  	[sflag:s0] =	ssyncset.done $0x0  }
0x1f0: {  	s20 =	simm.s32 $0x200;
	s30 =	rddreg [dreg:$0x10];
	[sflag:s0] =	ssyncadd.s32 $0xFFFFC000  }
0x1f1: {  	[hbm4b:s30+s3] =	stream.linear.scatter [tilespmem:s20], [sflag:$0x7], $0x4000, $0x38;
	[tilespmem:$0x18200] =	vst v63  }
0x1f2: {  	_ =	swait.ge [sflag:s17], $0x4000  }
0x1f3: {  	[sflag:s17] =	ssyncset.done $0x0  }
0x1f4: {  	[sflag:s17] =	ssyncadd.s32 $0xFFFFC000  }
0x1f5: {  	v3 =	vld [tilespmem:$0x110];
	_ =	sdelay $0x4  }
0x1f6: {  	v49 =	vshll.u32 v3, $0x3  }
0x1f7: {  	v3 =	vand.u32 $0x7, v3;
	v4 =	vand.u32 $0xFFFFFFC0, v49  }
0x1f8: {  	v3 =	vor.u32 v3, v4  }
0x1f9: {  	v4 =	vperm.xlane v3, v0;
	_ =	sdelay $0x1  }
0x1fa: {  	v4 =	vadd.s32 v1, v4;
	_ =	sdelay $0x4  }
0x1fb: {  	[tilespmem:s4], [sflag:$0x6] =	stream.indirect_vreg.gather [hbm4b:s1+s3], $0x80, v4, vm0, $0xb8;
	[tilespmem:$0x18200] =	vst v63  }
0x1fc: {  	s19 =	simm.s32 $0x14A00;
	v3 =	vperm.xlane v3, v2  }
0x1fd: {  	[tilespmem:s19], [sflag:$0x6] =	stream.indirect_vreg.gather [hbm4b:s5+s3], $0x80, v4, vm0, $0xb8;
	[tilespmem:$0x18200] =	vst v63  }
0x1fe: {  	s25 =	simm.s32 $0x15200;
	v3 =	vadd.s32 v1, v3  }
0x1ff: {  	[tilespmem:s25], [sflag:$0x6] =	stream.indirect_vreg.gather [hbm4b:s6+s3], $0x80, v4, vm0, $0xb8;
	[tilespmem:$0x18200] =	vst v63  }
0x200: {  	s28 =	simm.s32 $0x15A00  }
0x201: {  	[tilespmem:s28], [sflag:$0x6] =	stream.indirect_vreg.gather [hbm4b:s7+s3], $0x80, v4, vm0, $0xb8;
	[tilespmem:$0x18200] =	vst v63  }
0x202: {  	s30 =	simm.s32 $0x16200  }
0x203: {  	[tilespmem:s30], [sflag:$0x6] =	stream.indirect_vreg.gather [hbm4b:s1+s3], $0x80, v3, vm0, $0xb8;
	[tilespmem:$0x18200] =	vst v63  }
0x204: {  	s19 =	simm.s32 $0x16A00  }
0x205: {  	[tilespmem:s19], [sflag:$0x6] =	stream.indirect_vreg.gather [hbm4b:s5+s3], $0x80, v3, vm0, $0xb8;
	[tilespmem:$0x18200] =	vst v63  }
0x206: {  	s25 =	simm.s32 $0x17200  }
0x207: {  	[tilespmem:s25], [sflag:$0x6] =	stream.indirect_vreg.gather [hbm4b:s6+s3], $0x80, v3, vm0, $0xb8;
	[tilespmem:$0x18200] =	vst v63  }
0x208: {  	s25 =	simm.s32 $0x17A00  }
0x209: {  	[tilespmem:s25], [sflag:$0x6] =	stream.indirect_vreg.gather [hbm4b:s7+s3], $0x80, v3, vm0, $0xb8;
	[tilespmem:$0x18200] =	vst v63  }
0x20a: {  	_ =	swait.ge [sflag:s9], $0x4000  }
0x20b: {  	[sflag:s9] =	ssyncset.done $0x0  }
0x20c: {  	s4 =	simm.s32 $0x4200;
	s28 =	rddreg [dreg:$0x11];
	[sflag:s9] =	ssyncadd.s32 $0xFFFFC000  }
0x20d: {  	[hbm4b:s28+s3] =	stream.linear.scatter [tilespmem:s4], [sflag:$0x8], $0x4000, $0x38;
	[tilespmem:$0x18200] =	vst v63  }
0x20e: {  	_ =	swait.ge [sflag:s29], $0x4000  }
0x20f: {  	[sflag:s29] =	ssyncset.done $0x0  }
0x210: {  	[sflag:s29] =	ssyncadd.s32 $0xFFFFC000  }
0x211: {  	v3 =	vld [tilespmem:$0x120];
	_ =	sdelay $0x4  }
0x212: {  	v50 =	vshll.u32 v3, $0x3  }
0x213: {  	v3 =	vand.u32 $0x7, v3;
	v4 =	vand.u32 $0xFFFFFFC0, v50  }
0x214: {  	v3 =	vor.u32 v3, v4  }
0x215: {  	v4 =	vperm.xlane v3, v0;
	_ =	sdelay $0x1  }
0x216: {  	v4 =	vadd.s32 v1, v4;
	_ =	sdelay $0x4  }
0x217: {  	[tilespmem:s20], [sflag:$0x1] =	stream.indirect_vreg.gather [hbm4b:s1+s3], $0x80, v4, vm0, $0xb8;
	[tilespmem:$0x18200] =	vst v63  }
0x218: {  	s30 =	simm.s32 $0xA00;
	v3 =	vperm.xlane v3, v2  }
0x219: {  	[tilespmem:s30], [sflag:$0x1] =	stream.indirect_vreg.gather [hbm4b:s5+s3], $0x80, v4, vm0, $0xb8;
	[tilespmem:$0x18200] =	vst v63  }
0x21a: {  	v3 =	vadd.s32 v1, v3;
	s20 =	simm.s32 $0x1200  }
0x21b: {  	[tilespmem:s20], [sflag:$0x1] =	stream.indirect_vreg.gather [hbm4b:s6+s3], $0x80, v4, vm0, $0xb8;
	[tilespmem:$0x18200] =	vst v63  }
0x21c: {  	s28 =	simm.s32 $0x1A00  }
0x21d: {  	[tilespmem:s28], [sflag:$0x1] =	stream.indirect_vreg.gather [hbm4b:s7+s3], $0x80, v4, vm0, $0xb8;
	[tilespmem:$0x18200] =	vst v63  }
0x21e: {  	s30 =	simm.s32 $0x2200  }
0x21f: {  	[tilespmem:s30], [sflag:$0x1] =	stream.indirect_vreg.gather [hbm4b:s1+s3], $0x80, v3, vm0, $0xb8;
	[tilespmem:$0x18200] =	vst v63  }
0x220: {  	s20 =	simm.s32 $0x2A00  }
0x221: {  	[tilespmem:s20], [sflag:$0x1] =	stream.indirect_vreg.gather [hbm4b:s5+s3], $0x80, v3, vm0, $0xb8;
	[tilespmem:$0x18200] =	vst v63  }
0x222: {  	s28 =	simm.s32 $0x3200  }
0x223: {  	[tilespmem:s28], [sflag:$0x1] =	stream.indirect_vreg.gather [hbm4b:s6+s3], $0x80, v3, vm0, $0xb8;
	[tilespmem:$0x18200] =	vst v63  }
0x224: {  	s30 =	simm.s32 $0x3A00  }
0x225: {  	[tilespmem:s30], [sflag:$0x1] =	stream.indirect_vreg.gather [hbm4b:s7+s3], $0x80, v3, vm0, $0xb8;
	[tilespmem:$0x18200] =	vst v63  }
0x226: {  	_ =	swait.ge [sflag:s26], $0x4000  }
0x227: {  	[sflag:s26] =	ssyncset.done $0x0  }
0x228: {  	s10 =	simm.s32 $0x8200;
	s20 =	rddreg [dreg:$0x12];
	[sflag:s26] =	ssyncadd.s32 $0xFFFFC000  }
0x229: {  	[hbm4b:s20+s3] =	stream.linear.scatter [tilespmem:s10], [sflag:$0x9], $0x4000, $0x38;
	[tilespmem:$0x18200] =	vst v63  }
0x22a: {  	_ =	swait.ge [sflag:s2], $0x4000  }
0x22b: {  	[sflag:s2] =	ssyncset.done $0x0  }
0x22c: {  	[sflag:s2] =	ssyncadd.s32 $0xFFFFC000  }
0x22d: {  	v3 =	vld [tilespmem:$0x130];
	_ =	sdelay $0x4  }
0x22e: {  	v51 =	vshll.u32 v3, $0x3  }
0x22f: {  	v3 =	vand.u32 $0x7, v3;
	v4 =	vand.u32 $0xFFFFFFC0, v51  }
0x230: {  	v3 =	vor.u32 v3, v4  }
0x231: {  	v4 =	vperm.xlane v3, v0;
	_ =	sdelay $0x1  }
0x232: {  	v4 =	vadd.s32 v1, v4;
	_ =	sdelay $0x4  }
0x233: {  	[tilespmem:s4], [sflag:$0x2] =	stream.indirect_vreg.gather [hbm4b:s1+s3], $0x80, v4, vm0, $0xb8;
	[tilespmem:$0x18200] =	vst v63  }
0x234: {  	s28 =	simm.s32 $0x4A00;
	v3 =	vperm.xlane v3, v2  }
0x235: {  	[tilespmem:s28], [sflag:$0x2] =	stream.indirect_vreg.gather [hbm4b:s5+s3], $0x80, v4, vm0, $0xb8;
	[tilespmem:$0x18200] =	vst v63  }
0x236: {  	s30 =	simm.s32 $0x5200;
	v3 =	vadd.s32 v1, v3  }
0x237: {  	[tilespmem:s30], [sflag:$0x2] =	stream.indirect_vreg.gather [hbm4b:s6+s3], $0x80, v4, vm0, $0xb8;
	[tilespmem:$0x18200] =	vst v63  }
0x238: {  	s20 =	simm.s32 $0x5A00  }
0x239: {  	[tilespmem:s20], [sflag:$0x2] =	stream.indirect_vreg.gather [hbm4b:s7+s3], $0x80, v4, vm0, $0xb8;
	[tilespmem:$0x18200] =	vst v63  }
0x23a: {  	s28 =	simm.s32 $0x6200  }
0x23b: {  	[tilespmem:s28], [sflag:$0x2] =	stream.indirect_vreg.gather [hbm4b:s1+s3], $0x80, v3, vm0, $0xb8;
	[tilespmem:$0x18200] =	vst v63  }
0x23c: {  	s30 =	simm.s32 $0x6A00  }
0x23d: {  	[tilespmem:s30], [sflag:$0x2] =	stream.indirect_vreg.gather [hbm4b:s5+s3], $0x80, v3, vm0, $0xb8;
	[tilespmem:$0x18200] =	vst v63  }
0x23e: {  	s4 =	simm.s32 $0x7200  }
0x23f: {  	[tilespmem:s4], [sflag:$0x2] =	stream.indirect_vreg.gather [hbm4b:s6+s3], $0x80, v3, vm0, $0xb8;
	[tilespmem:$0x18200] =	vst v63  }
0x240: {  	s4 =	simm.s32 $0x7A00  }
0x241: {  	[tilespmem:s4], [sflag:$0x2] =	stream.indirect_vreg.gather [hbm4b:s7+s3], $0x80, v3, vm0, $0xb8;
	[tilespmem:$0x18200] =	vst v63  }
0x242: {  	_ =	swait.ge [sflag:s11], $0x4000  }
0x243: {  	[sflag:s11] =	ssyncset.done $0x0  }
0x244: {  	s8 =	simm.s32 $0xC200;
	s4 =	rddreg [dreg:$0x13];
	[sflag:s11] =	ssyncadd.s32 $0xFFFFC000  }
0x245: {  	[hbm4b:s4+s3] =	stream.linear.scatter [tilespmem:s8], [sflag:$0xA], $0x4000, $0x38;
	[tilespmem:$0x18200] =	vst v63  }
0x246: {  	_ =	swait.ge [sflag:s12], $0x4000  }
0x247: {  	[sflag:s12] =	ssyncset.done $0x0  }
0x248: {  	[sflag:s12] =	ssyncadd.s32 $0xFFFFC000  }
0x249: {  	v3 =	vld [tilespmem:$0x140];
	_ =	sdelay $0x4  }
0x24a: {  	v52 =	vshll.u32 v3, $0x3  }
0x24b: {  	v3 =	vand.u32 $0x7, v3;
	v4 =	vand.u32 $0xFFFFFFC0, v52  }
0x24c: {  	v3 =	vor.u32 v3, v4  }
0x24d: {  	v4 =	vperm.xlane v3, v0;
	_ =	sdelay $0x1  }
0x24e: {  	v4 =	vadd.s32 v1, v4;
	_ =	sdelay $0x4  }
0x24f: {  	[tilespmem:s10], [sflag:$0x3] =	stream.indirect_vreg.gather [hbm4b:s1+s3], $0x80, v4, vm0, $0xb8;
	[tilespmem:$0x18200] =	vst v63  }
0x250: {  	v3 =	vperm.xlane v3, v2;
	s10 =	simm.s32 $0x8A00  }
0x251: {  	[tilespmem:s10], [sflag:$0x3] =	stream.indirect_vreg.gather [hbm4b:s5+s3], $0x80, v4, vm0, $0xb8;
	[tilespmem:$0x18200] =	vst v63  }
0x252: {  	s19 =	simm.s32 $0x9200;
	v3 =	vadd.s32 v1, v3  }
0x253: {  	[tilespmem:s19], [sflag:$0x3] =	stream.indirect_vreg.gather [hbm4b:s6+s3], $0x80, v4, vm0, $0xb8;
	[tilespmem:$0x18200] =	vst v63  }
0x254: {  	_ = 	snop  }
0x255: {  	[tilespmem:s24], [sflag:$0x3] =	stream.indirect_vreg.gather [hbm4b:s7+s3], $0x80, v4, vm0, $0xb8;
	[tilespmem:$0x18200] =	vst v63  }
0x256: {  	s24 =	simm.s32 $0xA200  }
0x257: {  	[tilespmem:s24], [sflag:$0x3] =	stream.indirect_vreg.gather [hbm4b:s1+s3], $0x80, v3, vm0, $0xb8;
	[tilespmem:$0x18200] =	vst v63  }
0x258: {  	_ = 	snop  }
0x259: {  	[tilespmem:s31], [sflag:$0x3] =	stream.indirect_vreg.gather [hbm4b:s5+s3], $0x80, v3, vm0, $0xb8;
	[tilespmem:$0x18200] =	vst v63  }
0x25a: {  	s10 =	simm.s32 $0xB200  }
0x25b: {  	[tilespmem:s10], [sflag:$0x3] =	stream.indirect_vreg.gather [hbm4b:s6+s3], $0x80, v3, vm0, $0xb8;
	[tilespmem:$0x18200] =	vst v63  }
0x25c: {  	s19 =	simm.s32 $0xBA00  }
0x25d: {  	[tilespmem:s19], [sflag:$0x3] =	stream.indirect_vreg.gather [hbm4b:s7+s3], $0x80, v3, vm0, $0xb8;
	[tilespmem:$0x18200] =	vst v63  }
0x25e: {  	_ =	swait.ge [sflag:s13], $0x4000  }
0x25f: {  	[sflag:s13] =	ssyncset.done $0x0  }
0x260: {  	s18 =	simm.s32 $0x10200;
	s24 =	rddreg [dreg:$0x14];
	[sflag:s13] =	ssyncadd.s32 $0xFFFFC000  }
0x261: {  	[hbm4b:s24+s3] =	stream.linear.scatter [tilespmem:s18], [sflag:$0xB], $0x4000, $0x38;
	[tilespmem:$0x18200] =	vst v63  }
0x262: {  	_ =	swait.ge [sflag:s14], $0x4000  }
0x263: {  	[sflag:s14] =	ssyncset.done $0x0  }
0x264: {  	[sflag:s14] =	ssyncadd.s32 $0xFFFFC000  }
0x265: {  	v3 =	vld [tilespmem:$0x150];
	_ =	sdelay $0x4  }
0x266: {  	v53 =	vshll.u32 v3, $0x3  }
0x267: {  	v3 =	vand.u32 $0x7, v3;
	v4 =	vand.u32 $0xFFFFFFC0, v53  }
0x268: {  	v3 =	vor.u32 v3, v4  }
0x269: {  	v4 =	vperm.xlane v3, v0;
	_ =	sdelay $0x1  }
0x26a: {  	v4 =	vadd.s32 v1, v4;
	_ =	sdelay $0x4  }
0x26b: {  	[tilespmem:s8], [sflag:$0x4] =	stream.indirect_vreg.gather [hbm4b:s1+s3], $0x80, v4, vm0, $0xb8;
	[tilespmem:$0x18200] =	vst v63  }
0x26c: {  	s4 =	simm.s32 $0xCA00;
	v3 =	vperm.xlane v3, v2  }
0x26d: {  	[tilespmem:s4], [sflag:$0x4] =	stream.indirect_vreg.gather [hbm4b:s5+s3], $0x80, v4, vm0, $0xb8;
	[tilespmem:$0x18200] =	vst v63  }
0x26e: {  	v3 =	vadd.s32 v1, v3;
	s8 =	simm.s32 $0xD200  }
0x26f: {  	[tilespmem:s8], [sflag:$0x4] =	stream.indirect_vreg.gather [hbm4b:s6+s3], $0x80, v4, vm0, $0xb8;
	[tilespmem:$0x18200] =	vst v63  }
0x270: {  	s10 =	simm.s32 $0xDA00  }
0x271: {  	[tilespmem:s10], [sflag:$0x4] =	stream.indirect_vreg.gather [hbm4b:s7+s3], $0x80, v4, vm0, $0xb8;
	[tilespmem:$0x18200] =	vst v63  }
0x272: {  	s19 =	simm.s32 $0xE200  }
0x273: {  	[tilespmem:s19], [sflag:$0x4] =	stream.indirect_vreg.gather [hbm4b:s1+s3], $0x80, v3, vm0, $0xb8;
	[tilespmem:$0x18200] =	vst v63  }
0x274: {  	s24 =	simm.s32 $0xEA00  }
0x275: {  	[tilespmem:s24], [sflag:$0x4] =	stream.indirect_vreg.gather [hbm4b:s5+s3], $0x80, v3, vm0, $0xb8;
	[tilespmem:$0x18200] =	vst v63  }
0x276: {  	s8 =	simm.s32 $0xF200  }
0x277: {  	[tilespmem:s8], [sflag:$0x4] =	stream.indirect_vreg.gather [hbm4b:s6+s3], $0x80, v3, vm0, $0xb8;
	[tilespmem:$0x18200] =	vst v63  }
0x278: {  	_ = 	snop  }
0x279: {  	[tilespmem:s22], [sflag:$0x4] =	stream.indirect_vreg.gather [hbm4b:s7+s3], $0x80, v3, vm0, $0xb8;
	[tilespmem:$0x18200] =	vst v63  }
0x27a: {  	_ =	swait.ge [sflag:s15], $0x4000  }
0x27b: {  	[sflag:s15] =	ssyncset.done $0x0  }
0x27c: {  	s21 =	simm.s32 $0x14200;
	s10 =	rddreg [dreg:$0x15];
	[sflag:s15] =	ssyncadd.s32 $0xFFFFC000  }
0x27d: {  	[hbm4b:s10+s3] =	stream.linear.scatter [tilespmem:s21], [sflag:$0xC], $0x4000, $0x38;
	[tilespmem:$0x18200] =	vst v63  }
0x27e: {  	_ =	swait.ge [sflag:s16], $0x4000  }
0x27f: {  	[sflag:s16] =	ssyncset.done $0x0  }
0x280: {  	[sflag:s16] =	ssyncadd.s32 $0xFFFFC000  }
0x281: {  	v3 =	vld [tilespmem:$0x160];
	_ =	sdelay $0x4  }
0x282: {  	v54 =	vshll.u32 v3, $0x3  }
0x283: {  	v3 =	vand.u32 $0x7, v3;
	v4 =	vand.u32 $0xFFFFFFC0, v54  }
0x284: {  	v3 =	vor.u32 v3, v4  }
0x285: {  	v4 =	vperm.xlane v3, v0;
	_ =	sdelay $0x1  }
0x286: {  	v4 =	vadd.s32 v1, v4;
	_ =	sdelay $0x4  }
0x287: {  	[tilespmem:s18], [sflag:$0x5] =	stream.indirect_vreg.gather [hbm4b:s1+s3], $0x80, v4, vm0, $0xb8;
	[tilespmem:$0x18200] =	vst v63  }
0x288: {  	v3 =	vperm.xlane v3, v2;
	s18 =	simm.s32 $0x10A00  }
0x289: {  	[tilespmem:s18], [sflag:$0x5] =	stream.indirect_vreg.gather [hbm4b:s5+s3], $0x80, v4, vm0, $0xb8;
	[tilespmem:$0x18200] =	vst v63  }
0x28a: {  	s19 =	simm.s32 $0x11200;
	v3 =	vadd.s32 v1, v3  }
0x28b: {  	[tilespmem:s19], [sflag:$0x5] =	stream.indirect_vreg.gather [hbm4b:s6+s3], $0x80, v4, vm0, $0xb8;
	[tilespmem:$0x18200] =	vst v63  }
0x28c: {  	s22 =	simm.s32 $0x11A00  }
0x28d: {  	[tilespmem:s22], [sflag:$0x5] =	stream.indirect_vreg.gather [hbm4b:s7+s3], $0x80, v4, vm0, $0xb8;
	[tilespmem:$0x18200] =	vst v63  }
0x28e: {  	s24 =	simm.s32 $0x12200  }
0x28f: {  	[tilespmem:s24], [sflag:$0x5] =	stream.indirect_vreg.gather [hbm4b:s1+s3], $0x80, v3, vm0, $0xb8;
	[tilespmem:$0x18200] =	vst v63  }
0x290: {  	s8 =	simm.s32 $0x12A00  }
0x291: {  	[tilespmem:s8], [sflag:$0x5] =	stream.indirect_vreg.gather [hbm4b:s5+s3], $0x80, v3, vm0, $0xb8;
	[tilespmem:$0x18200] =	vst v63  }
0x292: {  	s10 =	simm.s32 $0x13200  }
0x293: {  	[tilespmem:s10], [sflag:$0x5] =	stream.indirect_vreg.gather [hbm4b:s6+s3], $0x80, v3, vm0, $0xb8;
	[tilespmem:$0x18200] =	vst v63  }
0x294: {  	_ = 	snop  }
0x295: {  	[tilespmem:s23], [sflag:$0x5] =	stream.indirect_vreg.gather [hbm4b:s7+s3], $0x80, v3, vm0, $0xb8;
	[tilespmem:$0x18200] =	vst v63  }
0x296: {  	_ =	swait.ge [sflag:s0], $0x4000  }
0x297: {  	[sflag:s0] =	ssyncset.done $0x0  }
0x298: {  	s4 =	simm.s32 $0x200;
	s18 =	rddreg [dreg:$0x16];
	[sflag:s0] =	ssyncadd.s32 $0xFFFFC000  }
0x299: {  	[hbm4b:s18+s3] =	stream.linear.scatter [tilespmem:s4], [sflag:$0x7], $0x4000, $0x38;
	[tilespmem:$0x18200] =	vst v63  }
0x29a: {  	_ =	swait.ge [sflag:s17], $0x4000  }
0x29b: {  	[sflag:s17] =	ssyncset.done $0x0  }
0x29c: {  	[sflag:s17] =	ssyncadd.s32 $0xFFFFC000  }
0x29d: {  	v3 =	vld [tilespmem:$0x170];
	_ =	sdelay $0x4  }
0x29e: {  	v55 =	vshll.u32 v3, $0x3  }
0x29f: {  	v3 =	vand.u32 $0x7, v3;
	v4 =	vand.u32 $0xFFFFFFC0, v55  }
0x2a0: {  	v3 =	vor.u32 v3, v4  }
0x2a1: {  	v4 =	vperm.xlane v3, v0;
	_ =	sdelay $0x1  }
0x2a2: {  	v4 =	vadd.s32 v1, v4;
	_ =	sdelay $0x4  }
0x2a3: {  	[tilespmem:s21], [sflag:$0x6] =	stream.indirect_vreg.gather [hbm4b:s1+s3], $0x80, v4, vm0, $0xb8;
	[tilespmem:$0x18200] =	vst v63  }
0x2a4: {  	s19 =	simm.s32 $0x14A00;
	v3 =	vperm.xlane v3, v2  }
0x2a5: {  	[tilespmem:s19], [sflag:$0x6] =	stream.indirect_vreg.gather [hbm4b:s5+s3], $0x80, v4, vm0, $0xb8;
	[tilespmem:$0x18200] =	vst v63  }
0x2a6: {  	v3 =	vadd.s32 v1, v3;
	s21 =	simm.s32 $0x15200  }
0x2a7: {  	[tilespmem:s21], [sflag:$0x6] =	stream.indirect_vreg.gather [hbm4b:s6+s3], $0x80, v4, vm0, $0xb8;
	[tilespmem:$0x18200] =	vst v63  }
0x2a8: {  	s22 =	simm.s32 $0x15A00  }
0x2a9: {  	[tilespmem:s22], [sflag:$0x6] =	stream.indirect_vreg.gather [hbm4b:s7+s3], $0x80, v4, vm0, $0xb8;
	[tilespmem:$0x18200] =	vst v63  }
0x2aa: {  	s23 =	simm.s32 $0x16200  }
0x2ab: {  	[tilespmem:s23], [sflag:$0x6] =	stream.indirect_vreg.gather [hbm4b:s1+s3], $0x80, v3, vm0, $0xb8;
	[tilespmem:$0x18200] =	vst v63  }
0x2ac: {  	s24 =	simm.s32 $0x16A00  }
0x2ad: {  	[tilespmem:s24], [sflag:$0x6] =	stream.indirect_vreg.gather [hbm4b:s5+s3], $0x80, v3, vm0, $0xb8;
	[tilespmem:$0x18200] =	vst v63  }
0x2ae: {  	s8 =	simm.s32 $0x17200  }
0x2af: {  	[tilespmem:s8], [sflag:$0x6] =	stream.indirect_vreg.gather [hbm4b:s6+s3], $0x80, v3, vm0, $0xb8;
	[tilespmem:$0x18200] =	vst v63  }
0x2b0: {  	_ = 	snop  }
0x2b1: {  	[tilespmem:s25], [sflag:$0x6] =	stream.indirect_vreg.gather [hbm4b:s7+s3], $0x80, v3, vm0, $0xb8;
	[tilespmem:$0x18200] =	vst v63  }
0x2b2: {  	_ =	swait.ge [sflag:s9], $0x4000  }
0x2b3: {  	[sflag:s9] =	ssyncset.done $0x0  }
0x2b4: {  	s8 =	simm.s32 $0x4200;
	s10 =	rddreg [dreg:$0x17];
	[sflag:s9] =	ssyncadd.s32 $0xFFFFC000  }
0x2b5: {  	[hbm4b:s10+s3] =	stream.linear.scatter [tilespmem:s8], [sflag:$0x8], $0x4000, $0x38;
	[tilespmem:$0x18200] =	vst v63  }
0x2b6: {  	_ =	swait.ge [sflag:s29], $0x4000  }
0x2b7: {  	[sflag:s29] =	ssyncset.done $0x0  }
0x2b8: {  	[sflag:s29] =	ssyncadd.s32 $0xFFFFC000  }
0x2b9: {  	v3 =	vld [tilespmem:$0x180];
	_ =	sdelay $0x4  }
0x2ba: {  	v56 =	vshll.u32 v3, $0x3  }
0x2bb: {  	v3 =	vand.u32 $0x7, v3;
	v4 =	vand.u32 $0xFFFFFFC0, v56  }
0x2bc: {  	v3 =	vor.u32 v3, v4  }
0x2bd: {  	v4 =	vperm.xlane v3, v0;
	_ =	sdelay $0x1  }
0x2be: {  	v4 =	vadd.s32 v1, v4;
	_ =	sdelay $0x4  }
0x2bf: {  	[tilespmem:s4], [sflag:$0x1] =	stream.indirect_vreg.gather [hbm4b:s1+s3], $0x80, v4, vm0, $0xb8;
	[tilespmem:$0x18200] =	vst v63  }
0x2c0: {  	s18 =	simm.s32 $0xA00;
	v3 =	vperm.xlane v3, v2  }
0x2c1: {  	[tilespmem:s18], [sflag:$0x1] =	stream.indirect_vreg.gather [hbm4b:s5+s3], $0x80, v4, vm0, $0xb8;
	[tilespmem:$0x18200] =	vst v63  }
0x2c2: {  	s24 =	simm.s32 $0x1200;
	v3 =	vadd.s32 v1, v3  }
0x2c3: {  	[tilespmem:s24], [sflag:$0x1] =	stream.indirect_vreg.gather [hbm4b:s6+s3], $0x80, v4, vm0, $0xb8;
	[tilespmem:$0x18200] =	vst v63  }
0x2c4: {  	s25 =	simm.s32 $0x1A00  }
0x2c5: {  	[tilespmem:s25], [sflag:$0x1] =	stream.indirect_vreg.gather [hbm4b:s7+s3], $0x80, v4, vm0, $0xb8;
	[tilespmem:$0x18200] =	vst v63  }
0x2c6: {  	s4 =	simm.s32 $0x2200  }
0x2c7: {  	[tilespmem:s4], [sflag:$0x1] =	stream.indirect_vreg.gather [hbm4b:s1+s3], $0x80, v3, vm0, $0xb8;
	[tilespmem:$0x18200] =	vst v63  }
0x2c8: {  	s18 =	simm.s32 $0x2A00  }
0x2c9: {  	[tilespmem:s18], [sflag:$0x1] =	stream.indirect_vreg.gather [hbm4b:s5+s3], $0x80, v3, vm0, $0xb8;
	[tilespmem:$0x18200] =	vst v63  }
0x2ca: {  	s24 =	simm.s32 $0x3200  }
0x2cb: {  	[tilespmem:s24], [sflag:$0x1] =	stream.indirect_vreg.gather [hbm4b:s6+s3], $0x80, v3, vm0, $0xb8;
	[tilespmem:$0x18200] =	vst v63  }
0x2cc: {  	s25 =	simm.s32 $0x3A00  }
0x2cd: {  	[tilespmem:s25], [sflag:$0x1] =	stream.indirect_vreg.gather [hbm4b:s7+s3], $0x80, v3, vm0, $0xb8;
	[tilespmem:$0x18200] =	vst v63  }
0x2ce: {  	_ =	swait.ge [sflag:s26], $0x4000  }
0x2cf: {  	[sflag:s26] =	ssyncset.done $0x0  }
0x2d0: {  	s25 =	simm.s32 $0x8200;
	s4 =	rddreg [dreg:$0x18];
	[sflag:s26] =	ssyncadd.s32 $0xFFFFC000  }
0x2d1: {  	[hbm4b:s4+s3] =	stream.linear.scatter [tilespmem:s25], [sflag:$0x9], $0x4000, $0x38;
	[tilespmem:$0x18200] =	vst v63  }
0x2d2: {  	_ =	swait.ge [sflag:s2], $0x4000  }
0x2d3: {  	[sflag:s2] =	ssyncset.done $0x0  }
0x2d4: {  	[sflag:s2] =	ssyncadd.s32 $0xFFFFC000  }
0x2d5: {  	v3 =	vld [tilespmem:$0x190];
	_ =	sdelay $0x4  }
0x2d6: {  	v57 =	vshll.u32 v3, $0x3  }
0x2d7: {  	v3 =	vand.u32 $0x7, v3;
	v4 =	vand.u32 $0xFFFFFFC0, v57  }
0x2d8: {  	v3 =	vor.u32 v3, v4  }
0x2d9: {  	v4 =	vperm.xlane v3, v0;
	_ =	sdelay $0x1  }
0x2da: {  	v4 =	vadd.s32 v1, v4;
	_ =	sdelay $0x4  }
0x2db: {  	[tilespmem:s8], [sflag:$0x2] =	stream.indirect_vreg.gather [hbm4b:s1+s3], $0x80, v4, vm0, $0xb8;
	[tilespmem:$0x18200] =	vst v63  }
0x2dc: {  	s18 =	simm.s32 $0x4A00;
	v3 =	vperm.xlane v3, v2  }
0x2dd: {  	[tilespmem:s18], [sflag:$0x2] =	stream.indirect_vreg.gather [hbm4b:s5+s3], $0x80, v4, vm0, $0xb8;
	[tilespmem:$0x18200] =	vst v63  }
0x2de: {  	s19 =	simm.s32 $0x5200;
	v3 =	vadd.s32 v1, v3  }
0x2df: {  	[tilespmem:s19], [sflag:$0x2] =	stream.indirect_vreg.gather [hbm4b:s6+s3], $0x80, v4, vm0, $0xb8;
	[tilespmem:$0x18200] =	vst v63  }
0x2e0: {  	_ = 	snop  }
0x2e1: {  	[tilespmem:s20], [sflag:$0x2] =	stream.indirect_vreg.gather [hbm4b:s7+s3], $0x80, v4, vm0, $0xb8;
	[tilespmem:$0x18200] =	vst v63  }
0x2e2: {  	_ = 	snop  }
0x2e3: {  	[tilespmem:s28], [sflag:$0x2] =	stream.indirect_vreg.gather [hbm4b:s1+s3], $0x80, v3, vm0, $0xb8;
	[tilespmem:$0x18200] =	vst v63  }
0x2e4: {  	_ = 	snop  }
0x2e5: {  	[tilespmem:s30], [sflag:$0x2] =	stream.indirect_vreg.gather [hbm4b:s5+s3], $0x80, v3, vm0, $0xb8;
	[tilespmem:$0x18200] =	vst v63  }
0x2e6: {  	s24 =	simm.s32 $0x7200  }
0x2e7: {  	[tilespmem:s24], [sflag:$0x2] =	stream.indirect_vreg.gather [hbm4b:s6+s3], $0x80, v3, vm0, $0xb8;
	[tilespmem:$0x18200] =	vst v63  }
0x2e8: {  	s8 =	simm.s32 $0x7A00  }
0x2e9: {  	[tilespmem:s8], [sflag:$0x2] =	stream.indirect_vreg.gather [hbm4b:s7+s3], $0x80, v3, vm0, $0xb8;
	[tilespmem:$0x18200] =	vst v63  }
0x2ea: {  	_ =	swait.ge [sflag:s11], $0x4000  }
0x2eb: {  	[sflag:s11] =	ssyncset.done $0x0  }
0x2ec: {  	s24 =	simm.s32 $0xC200;
	s18 =	rddreg [dreg:$0x19];
	[sflag:s11] =	ssyncadd.s32 $0xFFFFC000  }
0x2ed: {  	[hbm4b:s18+s3] =	stream.linear.scatter [tilespmem:s24], [sflag:$0xA], $0x4000, $0x38;
	[tilespmem:$0x18200] =	vst v63  }
0x2ee: {  	_ =	swait.ge [sflag:s12], $0x4000  }
0x2ef: {  	[sflag:s12] =	ssyncset.done $0x0  }
0x2f0: {  	[sflag:s12] =	ssyncadd.s32 $0xFFFFC000  }
0x2f1: {  	v3 =	vld [tilespmem:$0x1A0];
	_ =	sdelay $0x4  }
0x2f2: {  	v58 =	vshll.u32 v3, $0x3  }
0x2f3: {  	v3 =	vand.u32 $0x7, v3;
	v4 =	vand.u32 $0xFFFFFFC0, v58  }
0x2f4: {  	v3 =	vor.u32 v3, v4  }
0x2f5: {  	v4 =	vperm.xlane v3, v0;
	_ =	sdelay $0x1  }
0x2f6: {  	v4 =	vadd.s32 v1, v4;
	_ =	sdelay $0x4  }
0x2f7: {  	[tilespmem:s25], [sflag:$0x3] =	stream.indirect_vreg.gather [hbm4b:s1+s3], $0x80, v4, vm0, $0xb8;
	[tilespmem:$0x18200] =	vst v63  }
0x2f8: {  	s19 =	simm.s32 $0x8A00;
	v3 =	vperm.xlane v3, v2  }
0x2f9: {  	[tilespmem:s19], [sflag:$0x3] =	stream.indirect_vreg.gather [hbm4b:s5+s3], $0x80, v4, vm0, $0xb8;
	[tilespmem:$0x18200] =	vst v63  }
0x2fa: {  	v3 =	vadd.s32 v1, v3;
	s25 =	simm.s32 $0x9200  }
0x2fb: {  	[tilespmem:s25], [sflag:$0x3] =	stream.indirect_vreg.gather [hbm4b:s6+s3], $0x80, v4, vm0, $0xb8;
	[tilespmem:$0x18200] =	vst v63  }
0x2fc: {  	s19 =	simm.s32 $0x9A00  }
0x2fd: {  	[tilespmem:s19], [sflag:$0x3] =	stream.indirect_vreg.gather [hbm4b:s7+s3], $0x80, v4, vm0, $0xb8;
	[tilespmem:$0x18200] =	vst v63  }
0x2fe: {  	s25 =	simm.s32 $0xA200  }
0x2ff: {  	[tilespmem:s25], [sflag:$0x3] =	stream.indirect_vreg.gather [hbm4b:s1+s3], $0x80, v3, vm0, $0xb8;
	[tilespmem:$0x18200] =	vst v63  }
0x300: {  	s19 =	simm.s32 $0xAA00  }
0x301: {  	[tilespmem:s19], [sflag:$0x3] =	stream.indirect_vreg.gather [hbm4b:s5+s3], $0x80, v3, vm0, $0xb8;
	[tilespmem:$0x18200] =	vst v63  }
0x302: {  	s25 =	simm.s32 $0xB200  }
0x303: {  	[tilespmem:s25], [sflag:$0x3] =	stream.indirect_vreg.gather [hbm4b:s6+s3], $0x80, v3, vm0, $0xb8;
	[tilespmem:$0x18200] =	vst v63  }
0x304: {  	s31 =	simm.s32 $0xBA00  }
0x305: {  	[tilespmem:s31], [sflag:$0x3] =	stream.indirect_vreg.gather [hbm4b:s7+s3], $0x80, v3, vm0, $0xb8;
	[tilespmem:$0x18200] =	vst v63  }
0x306: {  	_ =	swait.ge [sflag:s13], $0x4000  }
0x307: {  	[sflag:s13] =	ssyncset.done $0x0  }
0x308: {  	s25 =	simm.s32 $0x10200;
	s18 =	rddreg [dreg:$0x1a];
	[sflag:s13] =	ssyncadd.s32 $0xFFFFC000  }
0x309: {  	[hbm4b:s18+s3] =	stream.linear.scatter [tilespmem:s25], [sflag:$0xB], $0x4000, $0x38;
	[tilespmem:$0x18200] =	vst v63  }
0x30a: {  	_ =	swait.ge [sflag:s14], $0x4000  }
0x30b: {  	[sflag:s14] =	ssyncset.done $0x0  }
0x30c: {  	[sflag:s14] =	ssyncadd.s32 $0xFFFFC000  }
0x30d: {  	v3 =	vld [tilespmem:$0x1B0];
	_ =	sdelay $0x4  }
0x30e: {  	v59 =	vshll.u32 v3, $0x3  }
0x30f: {  	v3 =	vand.u32 $0x7, v3;
	v4 =	vand.u32 $0xFFFFFFC0, v59  }
0x310: {  	v3 =	vor.u32 v3, v4  }
0x311: {  	v4 =	vperm.xlane v3, v0;
	_ =	sdelay $0x1  }
0x312: {  	v4 =	vadd.s32 v1, v4;
	_ =	sdelay $0x4  }
0x313: {  	[tilespmem:s24], [sflag:$0x4] =	stream.indirect_vreg.gather [hbm4b:s1+s3], $0x80, v4, vm0, $0xb8;
	[tilespmem:$0x18200] =	vst v63  }
0x314: {  	s31 =	simm.s32 $0xCA00;
	v3 =	vperm.xlane v3, v2  }
0x315: {  	[tilespmem:s31], [sflag:$0x4] =	stream.indirect_vreg.gather [hbm4b:s5+s3], $0x80, v4, vm0, $0xb8;
	[tilespmem:$0x18200] =	vst v63  }
0x316: {  	v3 =	vadd.s32 v1, v3;
	s24 =	simm.s32 $0xD200  }
0x317: {  	[tilespmem:s24], [sflag:$0x4] =	stream.indirect_vreg.gather [hbm4b:s6+s3], $0x80, v4, vm0, $0xb8;
	[tilespmem:$0x18200] =	vst v63  }
0x318: {  	s31 =	simm.s32 $0xDA00  }
0x319: {  	[tilespmem:s31], [sflag:$0x4] =	stream.indirect_vreg.gather [hbm4b:s7+s3], $0x80, v4, vm0, $0xb8;
	[tilespmem:$0x18200] =	vst v63  }
0x31a: {  	s24 =	simm.s32 $0xE200  }
0x31b: {  	[tilespmem:s24], [sflag:$0x4] =	stream.indirect_vreg.gather [hbm4b:s1+s3], $0x80, v3, vm0, $0xb8;
	[tilespmem:$0x18200] =	vst v63  }
0x31c: {  	s31 =	simm.s32 $0xEA00  }
0x31d: {  	[tilespmem:s31], [sflag:$0x4] =	stream.indirect_vreg.gather [hbm4b:s5+s3], $0x80, v3, vm0, $0xb8;
	[tilespmem:$0x18200] =	vst v63  }
0x31e: {  	s24 =	simm.s32 $0xF200  }
0x31f: {  	[tilespmem:s24], [sflag:$0x4] =	stream.indirect_vreg.gather [hbm4b:s6+s3], $0x80, v3, vm0, $0xb8;
	[tilespmem:$0x18200] =	vst v63  }
0x320: {  	s31 =	simm.s32 $0xFA00  }
0x321: {  	[tilespmem:s31], [sflag:$0x4] =	stream.indirect_vreg.gather [hbm4b:s7+s3], $0x80, v3, vm0, $0xb8;
	[tilespmem:$0x18200] =	vst v63  }
0x322: {  	_ =	swait.ge [sflag:s15], $0x4000  }
0x323: {  	[sflag:s15] =	ssyncset.done $0x0  }
0x324: {  	s31 =	simm.s32 $0x14200;
	s24 =	rddreg [dreg:$0x1b];
	[sflag:s15] =	ssyncadd.s32 $0xFFFFC000  }
0x325: {  	[hbm4b:s24+s3] =	stream.linear.scatter [tilespmem:s31], [sflag:$0xC], $0x4000, $0x38;
	[tilespmem:$0x18200] =	vst v63  }
0x326: {  	_ =	swait.ge [sflag:s16], $0x4000  }
0x327: {  	[sflag:s16] =	ssyncset.done $0x0  }
0x328: {  	[sflag:s16] =	ssyncadd.s32 $0xFFFFC000  }
0x329: {  	v3 =	vld [tilespmem:$0x1C0];
	_ =	sdelay $0x4  }
0x32a: {  	v60 =	vshll.u32 v3, $0x3  }
0x32b: {  	v3 =	vand.u32 $0x7, v3;
	v4 =	vand.u32 $0xFFFFFFC0, v60  }
0x32c: {  	v3 =	vor.u32 v3, v4  }
0x32d: {  	v4 =	vperm.xlane v3, v0;
	_ =	sdelay $0x1  }
0x32e: {  	v4 =	vadd.s32 v1, v4;
	_ =	sdelay $0x4  }
0x32f: {  	[tilespmem:s25], [sflag:$0x5] =	stream.indirect_vreg.gather [hbm4b:s1+s3], $0x80, v4, vm0, $0xb8;
	[tilespmem:$0x18200] =	vst v63  }
0x330: {  	v3 =	vperm.xlane v3, v2;
	s25 =	simm.s32 $0x10A00  }
0x331: {  	[tilespmem:s25], [sflag:$0x5] =	stream.indirect_vreg.gather [hbm4b:s5+s3], $0x80, v4, vm0, $0xb8;
	[tilespmem:$0x18200] =	vst v63  }
0x332: {  	v3 =	vadd.s32 v1, v3;
	s25 =	simm.s32 $0x11200  }
0x333: {  	[tilespmem:s25], [sflag:$0x5] =	stream.indirect_vreg.gather [hbm4b:s6+s3], $0x80, v4, vm0, $0xb8;
	[tilespmem:$0x18200] =	vst v63  }
0x334: {  	s25 =	simm.s32 $0x11A00  }
0x335: {  	[tilespmem:s25], [sflag:$0x5] =	stream.indirect_vreg.gather [hbm4b:s7+s3], $0x80, v4, vm0, $0xb8;
	[tilespmem:$0x18200] =	vst v63  }
0x336: {  	s25 =	simm.s32 $0x12200  }
0x337: {  	[tilespmem:s25], [sflag:$0x5] =	stream.indirect_vreg.gather [hbm4b:s1+s3], $0x80, v3, vm0, $0xb8;
	[tilespmem:$0x18200] =	vst v63  }
0x338: {  	s25 =	simm.s32 $0x12A00  }
0x339: {  	[tilespmem:s25], [sflag:$0x5] =	stream.indirect_vreg.gather [hbm4b:s5+s3], $0x80, v3, vm0, $0xb8;
	[tilespmem:$0x18200] =	vst v63  }
0x33a: {  	s25 =	simm.s32 $0x13200  }
0x33b: {  	[tilespmem:s25], [sflag:$0x5] =	stream.indirect_vreg.gather [hbm4b:s6+s3], $0x80, v3, vm0, $0xb8;
	[tilespmem:$0x18200] =	vst v63  }
0x33c: {  	s25 =	simm.s32 $0x13A00  }
0x33d: {  	[tilespmem:s25], [sflag:$0x5] =	stream.indirect_vreg.gather [hbm4b:s7+s3], $0x80, v3, vm0, $0xb8;
	[tilespmem:$0x18200] =	vst v63  }
0x33e: {  	_ =	swait.ge [sflag:s0], $0x4000  }
0x33f: {  	[sflag:s0] =	ssyncset.done $0x0  }
0x340: {  	s10 =	simm.s32 $0x200;
	s25 =	rddreg [dreg:$0x1c];
	[sflag:s0] =	ssyncadd.s32 $0xFFFFC000  }
0x341: {  	[hbm4b:s25+s3] =	stream.linear.scatter [tilespmem:s10], [sflag:$0x7], $0x4000, $0x38;
	[tilespmem:$0x18200] =	vst v63  }
0x342: {  	_ =	swait.ge [sflag:s17], $0x4000  }
0x343: {  	[sflag:s17] =	ssyncset.done $0x0  }
0x344: {  	[sflag:s17] =	ssyncadd.s32 $0xFFFFC000  }
0x345: {  	v3 =	vld [tilespmem:$0x1D0];
	_ =	sdelay $0x4  }
0x346: {  	v61 =	vshll.u32 v3, $0x3  }
0x347: {  	v3 =	vand.u32 $0x7, v3;
	v4 =	vand.u32 $0xFFFFFFC0, v61  }
0x348: {  	v3 =	vor.u32 v3, v4  }
0x349: {  	v4 =	vperm.xlane v3, v0;
	_ =	sdelay $0x1  }
0x34a: {  	v4 =	vadd.s32 v1, v4;
	_ =	sdelay $0x4  }
0x34b: {  	[tilespmem:s31], [sflag:$0x6] =	stream.indirect_vreg.gather [hbm4b:s1+s3], $0x80, v4, vm0, $0xb8;
	[tilespmem:$0x18200] =	vst v63  }
0x34c: {  	v3 =	vperm.xlane v3, v2;
	s31 =	simm.s32 $0x14A00  }
0x34d: {  	[tilespmem:s31], [sflag:$0x6] =	stream.indirect_vreg.gather [hbm4b:s5+s3], $0x80, v4, vm0, $0xb8;
	[tilespmem:$0x18200] =	vst v63  }
0x34e: {  	v3 =	vadd.s32 v1, v3;
	s31 =	simm.s32 $0x15200  }
0x34f: {  	[tilespmem:s31], [sflag:$0x6] =	stream.indirect_vreg.gather [hbm4b:s6+s3], $0x80, v4, vm0, $0xb8;
	[tilespmem:$0x18200] =	vst v63  }
0x350: {  	s31 =	simm.s32 $0x15A00  }
0x351: {  	[tilespmem:s31], [sflag:$0x6] =	stream.indirect_vreg.gather [hbm4b:s7+s3], $0x80, v4, vm0, $0xb8;
	[tilespmem:$0x18200] =	vst v63  }
0x352: {  	s21 =	simm.s32 $0x16200  }
0x353: {  	[tilespmem:s21], [sflag:$0x6] =	stream.indirect_vreg.gather [hbm4b:s1+s3], $0x80, v3, vm0, $0xb8;
	[tilespmem:$0x18200] =	vst v63  }
0x354: {  	s22 =	simm.s32 $0x16A00  }
0x355: {  	[tilespmem:s22], [sflag:$0x6] =	stream.indirect_vreg.gather [hbm4b:s5+s3], $0x80, v3, vm0, $0xb8;
	[tilespmem:$0x18200] =	vst v63  }
0x356: {  	s23 =	simm.s32 $0x17200  }
0x357: {  	[tilespmem:s23], [sflag:$0x6] =	stream.indirect_vreg.gather [hbm4b:s6+s3], $0x80, v3, vm0, $0xb8;
	[tilespmem:$0x18200] =	vst v63  }
0x358: {  	s22 =	simm.s32 $0x17A00  }
0x359: {  	[tilespmem:s22], [sflag:$0x6] =	stream.indirect_vreg.gather [hbm4b:s7+s3], $0x80, v3, vm0, $0xb8;
	[tilespmem:$0x18200] =	vst v63  }
0x35a: {  	_ =	swait.ge [sflag:s9], $0x4000  }
0x35b: {  	[sflag:s9] =	ssyncset.done $0x0  }
0x35c: {  	s4 =	simm.s32 $0x4200;
	s23 =	rddreg [dreg:$0x1d];
	[sflag:s9] =	ssyncadd.s32 $0xFFFFC000  }
0x35d: {  	[hbm4b:s23+s3] =	stream.linear.scatter [tilespmem:s4], [sflag:$0x8], $0x4000, $0x38;
	[tilespmem:$0x18200] =	vst v63  }
0x35e: {  	_ =	swait.ge [sflag:s29], $0x4000  }
0x35f: {  	[sflag:s29] =	ssyncset.done $0x0  }
0x360: {  	[sflag:s29] =	ssyncadd.s32 $0xFFFFC000  }
0x361: {  	v3 =	vld [tilespmem:$0x1E0];
	_ =	sdelay $0x4  }
0x362: {  	v62 =	vshll.u32 v3, $0x3  }
0x363: {  	v3 =	vand.u32 $0x7, v3;
	v4 =	vand.u32 $0xFFFFFFC0, v62  }
0x364: {  	v3 =	vor.u32 v3, v4  }
0x365: {  	v4 =	vperm.xlane v3, v0;
	_ =	sdelay $0x1  }
0x366: {  	v4 =	vadd.s32 v1, v4;
	_ =	sdelay $0x4  }
0x367: {  	[tilespmem:s10], [sflag:$0x1] =	stream.indirect_vreg.gather [hbm4b:s1+s3], $0x80, v4, vm0, $0xb8;
	[tilespmem:$0x18200] =	vst v63  }
0x368: {  	s31 =	simm.s32 $0xA00;
	v3 =	vperm.xlane v3, v2  }
0x369: {  	[tilespmem:s31], [sflag:$0x1] =	stream.indirect_vreg.gather [hbm4b:s5+s3], $0x80, v4, vm0, $0xb8;
	[tilespmem:$0x18200] =	vst v63  }
0x36a: {  	s21 =	simm.s32 $0x1200;
	v3 =	vadd.s32 v1, v3  }
0x36b: {  	[tilespmem:s21], [sflag:$0x1] =	stream.indirect_vreg.gather [hbm4b:s6+s3], $0x80, v4, vm0, $0xb8;
	[tilespmem:$0x18200] =	vst v63  }
0x36c: {  	s22 =	simm.s32 $0x1A00  }
0x36d: {  	[tilespmem:s22], [sflag:$0x1] =	stream.indirect_vreg.gather [hbm4b:s7+s3], $0x80, v4, vm0, $0xb8;
	[tilespmem:$0x18200] =	vst v63  }
0x36e: {  	s23 =	simm.s32 $0x2200  }
0x36f: {  	[tilespmem:s23], [sflag:$0x1] =	stream.indirect_vreg.gather [hbm4b:s1+s3], $0x80, v3, vm0, $0xb8;
	[tilespmem:$0x18200] =	vst v63  }
0x370: {  	s31 =	simm.s32 $0x2A00  }
0x371: {  	[tilespmem:s31], [sflag:$0x1] =	stream.indirect_vreg.gather [hbm4b:s5+s3], $0x80, v3, vm0, $0xb8;
	[tilespmem:$0x18200] =	vst v63  }
0x372: {  	s21 =	simm.s32 $0x3200  }
0x373: {  	[tilespmem:s21], [sflag:$0x1] =	stream.indirect_vreg.gather [hbm4b:s6+s3], $0x80, v3, vm0, $0xb8;
	[tilespmem:$0x18200] =	vst v63  }
0x374: {  	s22 =	simm.s32 $0x3A00  }
0x375: {  	[tilespmem:s22], [sflag:$0x1] =	stream.indirect_vreg.gather [hbm4b:s7+s3], $0x80, v3, vm0, $0xb8;
	[tilespmem:$0x18200] =	vst v63  }
0x376: {  	_ =	swait.ge [sflag:s26], $0x4000  }
0x377: {  	[sflag:s26] =	ssyncset.done $0x0  }
0x378: {  	s8 =	simm.s32 $0x8200;
	s23 =	rddreg [dreg:$0x1e];
	[sflag:s26] =	ssyncadd.s32 $0xFFFFC000  }
0x379: {  	[hbm4b:s23+s3] =	stream.linear.scatter [tilespmem:s8], [sflag:$0x9], $0x4000, $0x38;
	[tilespmem:$0x18200] =	vst v63  }
0x37a: {  	_ =	swait.ge [sflag:s2], $0x4000  }
0x37b: {  	[sflag:s2] =	ssyncset.done $0x0  }
0x37c: {  	[sflag:s2] =	ssyncadd.s32 $0xFFFFC000  }
0x37d: {  	v3 =	vld [tilespmem:$0x1F0];
	_ =	sdelay $0x4  }
0x37e: {  	v63 =	vshll.u32 v3, $0x3  }
0x37f: {  	v3 =	vand.u32 $0x7, v3;
	v4 =	vand.u32 $0xFFFFFFC0, v63  }
0x380: {  	v3 =	vor.u32 v3, v4  }
0x381: {  	v4 =	vperm.xlane v3, v0;
	_ =	sdelay $0x1  }
0x382: {  	v4 =	vadd.s32 v1, v4;
	_ =	sdelay $0x4  }
0x383: {  	[tilespmem:s4], [sflag:$0x2] =	stream.indirect_vreg.gather [hbm4b:s1+s3], $0x80, v4, vm0, $0xb8;
	[tilespmem:$0x18200] =	vst v63  }
0x384: {  	s31 =	simm.s32 $0x4A00;
	v3 =	vperm.xlane v3, v2  }
0x385: {  	[tilespmem:s31], [sflag:$0x2] =	stream.indirect_vreg.gather [hbm4b:s5+s3], $0x80, v4, vm0, $0xb8;
	[tilespmem:$0x18200] =	vst v63  }
0x386: {  	s19 =	simm.s32 $0x5200;
	v3 =	vadd.s32 v1, v3  }
0x387: {  	[tilespmem:s19], [sflag:$0x2] =	stream.indirect_vreg.gather [hbm4b:s6+s3], $0x80, v4, vm0, $0xb8;
	[tilespmem:$0x18200] =	vst v63  }
0x388: {  	s20 =	simm.s32 $0x5A00  }
0x389: {  	[tilespmem:s20], [sflag:$0x2] =	stream.indirect_vreg.gather [hbm4b:s7+s3], $0x80, v4, vm0, $0xb8;
	[tilespmem:$0x18200] =	vst v63  }
0x38a: {  	s28 =	simm.s32 $0x6200  }
0x38b: {  	[tilespmem:s28], [sflag:$0x2] =	stream.indirect_vreg.gather [hbm4b:s1+s3], $0x80, v3, vm0, $0xb8;
	[tilespmem:$0x18200] =	vst v63  }
0x38c: {  	s30 =	simm.s32 $0x6A00  }
0x38d: {  	[tilespmem:s30], [sflag:$0x2] =	stream.indirect_vreg.gather [hbm4b:s5+s3], $0x80, v3, vm0, $0xb8;
	[tilespmem:$0x18200] =	vst v63  }
0x38e: {  	s20 =	simm.s32 $0x7200  }
0x38f: {  	[tilespmem:s20], [sflag:$0x2] =	stream.indirect_vreg.gather [hbm4b:s6+s3], $0x80, v3, vm0, $0xb8;
	[tilespmem:$0x18200] =	vst v63  }
0x390: {  	s21 =	simm.s32 $0x7A00  }
0x391: {  	[tilespmem:s21], [sflag:$0x2] =	stream.indirect_vreg.gather [hbm4b:s7+s3], $0x80, v3, vm0, $0xb8;
	[tilespmem:$0x18200] =	vst v63  }
0x392: {  	_ =	swait.ge [sflag:s11], $0x4000  }
0x393: {  	[sflag:s11] =	ssyncset.done $0x0  }
0x394: {  	s18 =	simm.s32 $0xC200;
	s22 =	rddreg [dreg:$0x1f];
	[sflag:s11] =	ssyncadd.s32 $0xFFFFC000  }
0x395: {  	[hbm4b:s22+s3] =	stream.linear.scatter [tilespmem:s18], [sflag:$0xA], $0x4000, $0x38;
	[tilespmem:$0x18200] =	vst v63  }
0x396: {  	_ =	swait.ge [sflag:s13], $0x4000  }
0x397: {  	s23 =	sld [smem:$0x7F9]  }
0x398: {  	[sflag:s13] =	ssyncset.done $0x0  }
0x399: {  	s24 =	simm.s32 $0x10200;
	[sflag:s13] =	ssyncadd.s32 $0xFFFFC000  }
0x39a: {  	[hbm4b:s23+s3] =	stream.linear.scatter [tilespmem:s24], [sflag:$0xB], $0x4000, $0x38;
	[tilespmem:$0x18200] =	vst v63  }
0x39b: {  	_ =	swait.ge [sflag:s15], $0x4000  }
0x39c: {  	s24 =	sld [smem:$0x7FA]  }
0x39d: {  	[sflag:s15] =	ssyncset.done $0x0  }
0x39e: {  	s25 =	simm.s32 $0x14200;
	[sflag:s15] =	ssyncadd.s32 $0xFFFFC000  }
0x39f: {  	[hbm4b:s24+s3] =	stream.linear.scatter [tilespmem:s25], [sflag:$0xC], $0x4000, $0x38;
	[tilespmem:$0x18200] =	vst v63  }
0x3a0: {  	_ =	swait.ge [sflag:s0], $0x4000  }
0x3a1: {  	s28 =	sld [smem:$0x7FB]  }
0x3a2: {  	[sflag:s0] =	ssyncset.done $0x0  }
0x3a3: {  	[sflag:s0] =	ssyncadd.s32 $0xFFFFC000  }
0x3a4: {  	[hbm4b:s28+s3] =	stream.linear.scatter [tilespmem:s10], [sflag:$0x7], $0x4000, $0x38;
	[tilespmem:$0x18200] =	vst v63  }
0x3a5: {  	_ =	swait.ge [sflag:s9], $0x4000  }
0x3a6: {  	s30 =	sld [smem:$0x7FD]  }
0x3a7: {  	[sflag:s9] =	ssyncset.done $0x0  }
0x3a8: {  	[sflag:s9] =	ssyncadd.s32 $0xFFFFC000  }
0x3a9: {  	[hbm4b:s30+s3] =	stream.linear.scatter [tilespmem:s4], [sflag:$0x8], $0x4000, $0x38;
	[tilespmem:$0x18200] =	vst v63  }
0x3aa: {  	s31 =	sld [smem:$0x7F8];
	_ =	swait.ge [sflag:s12], $0x4000  }
0x3ab: {  	[sflag:s12] =	ssyncset.done $0x0  }
0x3ac: {  	[sflag:s12] =	ssyncadd.s32 $0xFFFFC000  }
0x3ad: {  	_ =	swait.ge [sflag:s14], $0x4000  }
0x3ae: {  	[sflag:s14] =	ssyncset.done $0x0  }
0x3af: {  	[sflag:s14] =	ssyncadd.s32 $0xFFFFC000  }
0x3b0: {  	_ =	swait.ge [sflag:s16], $0x4000  }
0x3b1: {  	[sflag:s16] =	ssyncset.done $0x0  }
0x3b2: {  	[sflag:s16] =	ssyncadd.s32 $0xFFFFC000  }
0x3b3: {  	_ =	swait.ge [sflag:s17], $0x4000  }
0x3b4: {  	[sflag:s17] =	ssyncset.done $0x0  }
0x3b5: {  	[sflag:s17] =	ssyncadd.s32 $0xFFFFC000  }
0x3b6: {  	p0 =	sne.s32 s31, $0x1;
	_ =	swait.ge [sflag:s29], $0x4000  }
.Ltmp0:
0x3b7: {  	[sflag:s29] =	ssyncset.done $0x0;
	(pc) =	sbr.rel @p0 .LBB2_1-.Ltmp0, $4  }
0x3b8: {  	[sflag:s29] =	ssyncadd.s32 $0xFFFFC000  }
0x3b9: {  	_ =	swait.ge [sflag:s2], $0x4000  }
0x3ba: {  	[sflag:s2] =	ssyncset.done $0x0  }
0x3bb: {  	s4 =	sadd.s32 $0xFFFFFFFF, s31;
	[sflag:s2] =	ssyncadd.s32 $0xFFFFC000  }
0x3bc: {  	_ =	sfence.sel $0x180000  }
0x3bd: {  	[bflag:$0x0] =	sbarrier.arrive $0xFFFF  }
0x3be: {  	_ =	strace $0x90000047  }
0x3bf: {  	s0 =	stileid.u32;
	[bflag:$0x2] =	sbarrier.arrive $0xFFFF  }
0x3c0: {  	p0 =	sne.s32 s0, $0x0;
	s0 =	rddreg [dreg:$0x3]  }
0x3c1: {  	s0 =	sadd.s32 @!p0 $0x100000, s0  }
0x3c2: {  	[sflag:s0] =	ssyncadd.tile.s32 @!p0 $0x1;
	_ =	shalt  }
.Lfunc_end2:
_tile_overlayer_lowered:
.L_overlay_start_2:
0x3c3: {  	(tag) =	ssettag $0x2  }
0x3c4: {  	s0 =	rddreg [dreg:$0x0];
	s2 =	stileid.u32  }
0x3c5: {  	s1 =	rddreg [dreg:$0x1];
	p0 =	sne.s32 s2, $0x0  }
0x3c6: {  	s3 =	rddreg [dreg:$0x2];
	[bflag:$0x3] =	sbarrier.arrive $0xFFFF;
	s2 =	simm.s32 @!p0 $0x1C0D  }
0x3c7: {  	[timem:s3], [sflag:s2] =	dma.local @!p0 [hbm:s0], s1  }
0x3c8: {  	s0 =	simm.s32 @!p0 $0xD  }
0x3c9: {  	_ =	swait.ge @!p0 [sflag:s0], s1  }
0x3ca: {  	s1 =	ssub.s32 @!p0 $0x0, s1;
	[sflag:s0] =	ssyncset.done @!p0 $0x0  }
0x3cb: {  	[sflag:s0] =	ssyncadd.s32 @!p0 s1  }
0x3cc: {  	[bflag:$0x3] =	sbarrier.arrive $0xFFFF  }
0x3cd: {  	_ =	shalt  }

</sc_bundles>
